<compile_context>
chip_gen: v7x
topology: tpu7x:2x2x1
jax: 0.10.2.dev20260603
libtpu: 0.0.44.dev20260713+nightly
codegen_flags: <defaults>
</compile_context>

<pallas_src>
import functools

import jax
import jax.numpy as jnp
from jax import lax
from jax.experimental import layout as jex_layout
from jax.experimental import pallas as pl
from jax.experimental.pallas import tpu as pltpu
from jax.experimental.pallas import tpu_sc as plsc

NUM_CORES = 2
NUM_SUBCORES = 16
NUM_WORKERS = NUM_CORES * NUM_SUBCORES
ROWS_PER_GROUP = 2
SPLITS = ((0, 128), (128, 72))
K = ROWS_PER_GROUP * len(SPLITS)
DPAD = 128


def _embed_kernel(rows_per_worker, row_len, d,
                  table_hbm, x_hbm, out_hbm,
                  idx_v, a0, a1, a2, a3, b0, b1, b2, b3,
                  gsem_a, gsem_b, wsem_a, wsem_b):
    cid = lax.axis_index("c")
    sid = lax.axis_index("s")
    wid = sid * NUM_CORES + cid
    row0 = wid * rows_per_worker
    flat0 = row0 * row_len
    bufs_a = (a0, a1, a2, a3)
    bufs_b = (b0, b1, b2, b3)
    n_groups = rows_per_worker // ROWS_PER_GROUP

    pltpu.sync_copy(x_hbm.at[pl.ds(row0, rows_per_worker)], idx_v)

    def chunk_refs(g, j, bufs):
        r = g * ROWS_PER_GROUP + j // len(SPLITS)
        off, sz = SPLITS[j % len(SPLITS)]
        src = table_hbm.at[idx_v.at[r, pl.ds(off, sz)]]
        dst = out_hbm.at[pl.ds(flat0 + r * row_len + off, sz), pl.ds(0, d)]
        return src, bufs[j], dst

    def fire_g(g, bufs, sem):
        for j in range(K):
            src, buf, _ = chunk_refs(g, j, bufs)
            pltpu.async_copy(src, buf, sem)

    def drain_g(g, bufs, sem):
        for j in range(K):
            src, buf, _ = chunk_refs(g, j, bufs)
            pltpu.make_async_copy(src, buf, sem).wait()

    def fire_w(g, bufs, sem):
        for j in range(K):
            _, buf, dst = chunk_refs(g, j, bufs)
            pltpu.async_copy(buf, dst, sem)

    def drain_w(g, bufs, sem):
        for j in range(K):
            _, buf, dst = chunk_refs(g, j, bufs)
            pltpu.make_async_copy(buf, dst, sem).wait()

    fire_g(0, bufs_a, gsem_a)
    drain_g(0, bufs_a, gsem_a)
    fire_w(0, bufs_a, wsem_a)
    fire_g(1, bufs_b, gsem_b)

    def body(i, carry):
        g0 = 2 * i + 1
        g1 = g0 + 1
        drain_g(g0, bufs_b, gsem_b)
        fire_w(g0, bufs_b, wsem_b)
        drain_w(g0 - 1, bufs_a, wsem_a)
        fire_g(g1, bufs_a, gsem_a)
        drain_g(g1, bufs_a, gsem_a)
        fire_w(g1, bufs_a, wsem_a)
        drain_w(g1 - 1, bufs_b, wsem_b)
        fire_g(g1 + 1, bufs_b, gsem_b)
        return carry

    lax.fori_loop(0, (n_groups - 2) // 2, body, 0)

    g_last = n_groups - 1
    drain_g(g_last, bufs_b, gsem_b)
    fire_w(g_last, bufs_b, wsem_b)
    drain_w(g_last - 1, bufs_a, wsem_a)
    drain_w(g_last, bufs_b, wsem_b)


def kernel(x, table):
    n_rows, row_len = x.shape
    d = table.shape[1]
    xi = x.astype(jnp.int32)
    tlin = jnp.pad(table, ((0, 0), (0, DPAD - d))).reshape(2 * table.shape[0], d)
    xi = xi * 2
    rows_per_worker = n_rows // NUM_WORKERS
    b_total = n_rows * row_len
    assert n_rows == NUM_WORKERS * rows_per_worker
    assert rows_per_worker % (2 * ROWS_PER_GROUP) == 0
    assert sum(sz for _, sz in SPLITS) == row_len

    mesh = plsc.VectorSubcoreMesh(core_axis_name="c", subcore_axis_name="s")
    buf_types = [pltpu.VMEM((sz, d), jnp.float32)
                 for _ in range(ROWS_PER_GROUP) for _, sz in SPLITS]
    out = pl.kernel(
        functools.partial(_embed_kernel, rows_per_worker, row_len, d),
        out_type=jax.ShapeDtypeStruct((b_total, DPAD), jnp.float32),
        mesh=mesh,
        scratch_types=[pltpu.VMEM((rows_per_worker, row_len), jnp.int32)]
        + buf_types + buf_types
        + [pltpu.SemaphoreType.DMA] * 4,
        compiler_params=pltpu.CompilerParams(use_tc_tiling_on_sc=False),
    )(tlin, xi)
    return out.reshape(n_rows, row_len, DPAD)[:, :, :d]

# --- scband reference (transcript-rebuilt; emitter-appended) ---
"""Pipeline reference for scband-embed-14405320310830 (READ-ONLY COPY).

The authoritative reference and input builder live on the scoring server;
editing this copy changes nothing except your own understanding.
"""

import jax, jax.numpy as jnp
import numpy as np

NUM_EMBEDDINGS = 1000000
EMBEDDING_DIM = 64

def setup_inputs(seed: int = 0) -> dict:
    key = jax.random.key(seed)
    k1, k2 = jax.random.split(key)
    x = jax.random.randint(k1, (4096, 200), 0, NUM_EMBEDDINGS, dtype=jnp.int64) if jax.config.jax_enable_x64 else jax.random.randint(k1, (4096, 200), 0, NUM_EMBEDDINGS, dtype=jnp.int32)
    table = jax.random.normal(k2, (NUM_EMBEDDINGS, EMBEDDING_DIM), dtype=jnp.float32)
    return {"x": x, "table": table}

def reference(x, table):
    # Embed.forward: embeddings = self.embedding(x); noise=0 and dropout=0 so
    # no noise addition and no dropout are applied (eval-equivalent path).
    embeddings = jnp.take(table, x, axis=0)
    return embeddings

if __name__ == "__main__":
    import jax
    _d = setup_inputs()
    print(jax.jit(kernel)(*tuple(_d.values())))

</pallas_src>

<mosaic_0001>
#map = affine_map<(d0, d1) -> (0, 0)>
module attributes {stable_mosaic.version = 14 : i64} {
  func.func @_embed_kernel(%arg0: i32, %arg1: i32, %arg2: memref<2000000x64xf32, #tpu.memory_space<hbm>>, %arg3: memref<4096x200xi32, #tpu.memory_space<hbm>>, %arg4: memref<819200x128xf32, #tpu.memory_space<hbm>>, %arg5: memref<128x200xi32, #tpu.memory_space<vmem>>, %arg6: memref<128x64xf32, #tpu.memory_space<vmem>>, %arg7: memref<72x64xf32, #tpu.memory_space<vmem>>, %arg8: memref<128x64xf32, #tpu.memory_space<vmem>>, %arg9: memref<72x64xf32, #tpu.memory_space<vmem>>, %arg10: memref<128x64xf32, #tpu.memory_space<vmem>>, %arg11: memref<72x64xf32, #tpu.memory_space<vmem>>, %arg12: memref<128x64xf32, #tpu.memory_space<vmem>>, %arg13: memref<72x64xf32, #tpu.memory_space<vmem>>, %arg14: memref<!tpu.dma_semaphore, #tpu.memory_space<semaphore_mem>>, %arg15: memref<!tpu.dma_semaphore, #tpu.memory_space<semaphore_mem>>, %arg16: memref<!tpu.dma_semaphore, #tpu.memory_space<semaphore_mem>>, %arg17: memref<!tpu.dma_semaphore, #tpu.memory_space<semaphore_mem>>) attributes {dimension_semantics = [#tpu.dimension_semantics<core_parallel>, #tpu.dimension_semantics<subcore_parallel>], iteration_bounds = array<i64: 2, 16>, scalar_prefetch = 0 : i64, scratch_operands = 13 : i64, tpu.core_type = #tpu.core_type<sc_vector_subcore>, window_params = [{transform_indices = #map}, {transform_indices = #map}, {transform_indices = #map}]} {
    %mul3A = arith.constant 2 : i32
    %mul3A_0 = arith.muli %arg1, %mul3A : i32
    %add3A = arith.addi %mul3A_0, %arg0 : i32
    %mul3A_1 = arith.constant 128 : i32
    %mul3A_2 = arith.muli %add3A, %mul3A_1 : i32
    %mul3A_3 = arith.constant 200 : i32
    %mul3A_4 = arith.muli %mul3A_2, %mul3A_3 : i32
    "tpu.region"() ({
      %run_scoped3A = tpu.sem_alloc : memref<!tpu.dma_semaphore, #tpu.memory_space<semaphore_mem>>
      %dma_start3A_312 = arith.constant 0 : i32
      %dma_start3A_313 = tpu.memref_slice %arg3[%mul3A_2, %dma_start3A_312] : memref<4096x200xi32, #tpu.memory_space<hbm>> -> memref<128x200xi32, #tpu.memory_space<hbm>>
      %dma_start3A_314 = arith.constant 0 : i32
      %dma_start3A_315 = tpu.memref_slice %arg3[%mul3A_2, %dma_start3A_314] : memref<4096x200xi32, #tpu.memory_space<hbm>> -> memref<128x200xi32, #tpu.memory_space<hbm>>
      tpu.enqueue_dma source(%dma_start3A_315 : memref<128x200xi32, #tpu.memory_space<hbm>>) target(%arg5 : memref<128x200xi32, #tpu.memory_space<vmem>>) target_semaphore(%run_scoped3A : memref<!tpu.dma_semaphore, #tpu.memory_space<semaphore_mem>>)
      %dma_wait3A_316 = arith.constant 0 : i32
      %dma_wait3A_317 = tpu.memref_slice %arg3[%mul3A_2, %dma_wait3A_316] : memref<4096x200xi32, #tpu.memory_space<hbm>> -> memref<128x200xi32, #tpu.memory_space<hbm>>
      %dma_wait3A_318 = arith.constant 0 : i32
      %dma_wait3A_319 = tpu.memref_slice %arg3[%mul3A_2, %dma_wait3A_318] : memref<4096x200xi32, #tpu.memory_space<hbm>> -> memref<128x200xi32, #tpu.memory_space<hbm>>
      tpu.wait_dma2 semaphore(%run_scoped3A : memref<!tpu.dma_semaphore, #tpu.memory_space<semaphore_mem>>) src(%dma_wait3A_319 : memref<128x200xi32, #tpu.memory_space<hbm>>) dst(%arg5 : memref<128x200xi32, #tpu.memory_space<vmem>>)
      tpu.yield
    }) : () -> ()
    %add3A_5 = arith.constant 0 : i32
    %add3A_6 = arith.addi %mul3A_4, %add3A_5 : i32
    %add3A_7 = arith.constant 0 : i32
    %add3A_8 = arith.addi %add3A_6, %add3A_7 : i32
    %dma_start3A = arith.constant 0 : i32
    %dma_start3A_9 = arith.constant 0 : i32
    %dma_start3A_10 = tpu.memref_slice %arg5[%dma_start3A, %dma_start3A_9] : memref<128x200xi32, #tpu.memory_space<vmem>> -> memref<1x128xi32, #tpu.memory_space<vmem>>
    %dma_start3A_11 = tpu.memref_squeeze %dma_start3A_10 : memref<1x128xi32, #tpu.memory_space<vmem>> -> memref<128xi32, #tpu.memory_space<vmem>>
    %dma_start3A_12 = arith.constant 0 : i32
    %dma_start3A_13 = arith.constant 0 : i32
    %dma_start3A_14 = tpu.memref_slice %arg2[%dma_start3A_12, %dma_start3A_13] : memref<2000000x64xf32, #tpu.memory_space<hbm>> -> memref<2000000x64xf32, #tpu.memory_space<hbm>>
    tpu.enqueue_indirect_dma source(%dma_start3A_14 : memref<2000000x64xf32, #tpu.memory_space<hbm>>) target(%arg6 : memref<128x64xf32, #tpu.memory_space<vmem>>) offsets(%dma_start3A_11 : memref<128xi32, #tpu.memory_space<vmem>>) semaphore(%arg14 : memref<!tpu.dma_semaphore, #tpu.memory_space<semaphore_mem>>)
    %add3A_15 = arith.constant 0 : i32
    %add3A_16 = arith.addi %mul3A_4, %add3A_15 : i32
    %add3A_17 = arith.constant 128 : i32
    %add3A_18 = arith.addi %add3A_16, %add3A_17 : i32
    %dma_start3A_19 = arith.constant 0 : i32
    %dma_start3A_20 = arith.constant 128 : i32
    %dma_start3A_21 = tpu.memref_slice %arg5[%dma_start3A_19, %dma_start3A_20] : memref<128x200xi32, #tpu.memory_space<vmem>> -> memref<1x72xi32, #tpu.memory_space<vmem>>
    %dma_start3A_22 = tpu.memref_squeeze %dma_start3A_21 : memref<1x72xi32, #tpu.memory_space<vmem>> -> memref<72xi32, #tpu.memory_space<vmem>>
    %dma_start3A_23 = arith.constant 0 : i32
    %dma_start3A_24 = arith.constant 0 : i32
    %dma_start3A_25 = tpu.memref_slice %arg2[%dma_start3A_23, %dma_start3A_24] : memref<2000000x64xf32, #tpu.memory_space<hbm>> -> memref<2000000x64xf32, #tpu.memory_space<hbm>>
    tpu.enqueue_indirect_dma source(%dma_start3A_25 : memref<2000000x64xf32, #tpu.memory_space<hbm>>) target(%arg7 : memref<72x64xf32, #tpu.memory_space<vmem>>) offsets(%dma_start3A_22 : memref<72xi32, #tpu.memory_space<vmem>>) semaphore(%arg14 : memref<!tpu.dma_semaphore, #tpu.memory_space<semaphore_mem>>)
    %add3A_26 = arith.constant 200 : i32
    %add3A_27 = arith.addi %mul3A_4, %add3A_26 : i32
    %add3A_28 = arith.constant 0 : i32
    %add3A_29 = arith.addi %add3A_27, %add3A_28 : i32
    %dma_start3A_30 = arith.constant 1 : i32
    %dma_start3A_31 = arith.constant 0 : i32
    %dma_start3A_32 = tpu.memref_slice %arg5[%dma_start3A_30, %dma_start3A_31] : memref<128x200xi32, #tpu.memory_space<vmem>> -> memref<1x128xi32, #tpu.memory_space<vmem>>
    %dma_start3A_33 = tpu.memref_squeeze %dma_start3A_32 : memref<1x128xi32, #tpu.memory_space<vmem>> -> memref<128xi32, #tpu.memory_space<vmem>>
    %dma_start3A_34 = arith.constant 0 : i32
    %dma_start3A_35 = arith.constant 0 : i32
    %dma_start3A_36 = tpu.memref_slice %arg2[%dma_start3A_34, %dma_start3A_35] : memref<2000000x64xf32, #tpu.memory_space<hbm>> -> memref<2000000x64xf32, #tpu.memory_space<hbm>>
    tpu.enqueue_indirect_dma source(%dma_start3A_36 : memref<2000000x64xf32, #tpu.memory_space<hbm>>) target(%arg8 : memref<128x64xf32, #tpu.memory_space<vmem>>) offsets(%dma_start3A_33 : memref<128xi32, #tpu.memory_space<vmem>>) semaphore(%arg14 : memref<!tpu.dma_semaphore, #tpu.memory_space<semaphore_mem>>)
    %add3A_37 = arith.constant 200 : i32
    %add3A_38 = arith.addi %mul3A_4, %add3A_37 : i32
    %add3A_39 = arith.constant 128 : i32
    %add3A_40 = arith.addi %add3A_38, %add3A_39 : i32
    %dma_start3A_41 = arith.constant 1 : i32
    %dma_start3A_42 = arith.constant 128 : i32
    %dma_start3A_43 = tpu.memref_slice %arg5[%dma_start3A_41, %dma_start3A_42] : memref<128x200xi32, #tpu.memory_space<vmem>> -> memref<1x72xi32, #tpu.memory_space<vmem>>
    %dma_start3A_44 = tpu.memref_squeeze %dma_start3A_43 : memref<1x72xi32, #tpu.memory_space<vmem>> -> memref<72xi32, #tpu.memory_space<vmem>>
    %dma_start3A_45 = arith.constant 0 : i32
    %dma_start3A_46 = arith.constant 0 : i32
    %dma_start3A_47 = tpu.memref_slice %arg2[%dma_start3A_45, %dma_start3A_46] : memref<2000000x64xf32, #tpu.memory_space<hbm>> -> memref<2000000x64xf32, #tpu.memory_space<hbm>>
    tpu.enqueue_indirect_dma source(%dma_start3A_47 : memref<2000000x64xf32, #tpu.memory_space<hbm>>) target(%arg9 : memref<72x64xf32, #tpu.memory_space<vmem>>) offsets(%dma_start3A_44 : memref<72xi32, #tpu.memory_space<vmem>>) semaphore(%arg14 : memref<!tpu.dma_semaphore, #tpu.memory_space<semaphore_mem>>)
    %add3A_48 = arith.constant 0 : i32
    %add3A_49 = arith.addi %mul3A_4, %add3A_48 : i32
    %add3A_50 = arith.constant 0 : i32
    %add3A_51 = arith.addi %add3A_49, %add3A_50 : i32
    %dma_wait3A = arith.constant 0 : i32
    %dma_wait3A_52 = arith.constant 0 : i32
    %dma_wait3A_53 = tpu.memref_slice %arg5[%dma_wait3A, %dma_wait3A_52] : memref<128x200xi32, #tpu.memory_space<vmem>> -> memref<1x128xi32, #tpu.memory_space<vmem>>
    %dma_wait3A_54 = tpu.memref_squeeze %dma_wait3A_53 : memref<1x128xi32, #tpu.memory_space<vmem>> -> memref<128xi32, #tpu.memory_space<vmem>>
    %dma_wait3A_55 = arith.constant 0 : i32
    %dma_wait3A_56 = arith.constant 0 : i32
    %dma_wait3A_57 = tpu.memref_slice %arg2[%dma_wait3A_55, %dma_wait3A_56] : memref<2000000x64xf32, #tpu.memory_space<hbm>> -> memref<2000000x64xf32, #tpu.memory_space<hbm>>
    tpu.wait_indirect_dma semaphore(%arg14 : memref<!tpu.dma_semaphore, #tpu.memory_space<semaphore_mem>>) src(%dma_wait3A_57 : memref<2000000x64xf32, #tpu.memory_space<hbm>>) dst(%arg6 : memref<128x64xf32, #tpu.memory_space<vmem>>)
    %add3A_58 = arith.constant 0 : i32
    %add3A_59 = arith.addi %mul3A_4, %add3A_58 : i32
    %add3A_60 = arith.constant 128 : i32
    %add3A_61 = arith.addi %add3A_59, %add3A_60 : i32
    %dma_wait3A_62 = arith.constant 0 : i32
    %dma_wait3A_63 = arith.constant 128 : i32
    %dma_wait3A_64 = tpu.memref_slice %arg5[%dma_wait3A_62, %dma_wait3A_63] : memref<128x200xi32, #tpu.memory_space<vmem>> -> memref<1x72xi32, #tpu.memory_space<vmem>>
    %dma_wait3A_65 = tpu.memref_squeeze %dma_wait3A_64 : memref<1x72xi32, #tpu.memory_space<vmem>> -> memref<72xi32, #tpu.memory_space<vmem>>
    %dma_wait3A_66 = arith.constant 0 : i32
    %dma_wait3A_67 = arith.constant 0 : i32
    %dma_wait3A_68 = tpu.memref_slice %arg2[%dma_wait3A_66, %dma_wait3A_67] : memref<2000000x64xf32, #tpu.memory_space<hbm>> -> memref<2000000x64xf32, #tpu.memory_space<hbm>>
    tpu.wait_indirect_dma semaphore(%arg14 : memref<!tpu.dma_semaphore, #tpu.memory_space<semaphore_mem>>) src(%dma_wait3A_68 : memref<2000000x64xf32, #tpu.memory_space<hbm>>) dst(%arg7 : memref<72x64xf32, #tpu.memory_space<vmem>>)
    %add3A_69 = arith.constant 200 : i32
    %add3A_70 = arith.addi %mul3A_4, %add3A_69 : i32
    %add3A_71 = arith.constant 0 : i32
    %add3A_72 = arith.addi %add3A_70, %add3A_71 : i32
    %dma_wait3A_73 = arith.constant 1 : i32
    %dma_wait3A_74 = arith.constant 0 : i32
    %dma_wait3A_75 = tpu.memref_slice %arg5[%dma_wait3A_73, %dma_wait3A_74] : memref<128x200xi32, #tpu.memory_space<vmem>> -> memref<1x128xi32, #tpu.memory_space<vmem>>
    %dma_wait3A_76 = tpu.memref_squeeze %dma_wait3A_75 : memref<1x128xi32, #tpu.memory_space<vmem>> -> memref<128xi32, #tpu.memory_space<vmem>>
    %dma_wait3A_77 = arith.constant 0 : i32
    %dma_wait3A_78 = arith.constant 0 : i32
    %dma_wait3A_79 = tpu.memref_slice %arg2[%dma_wait3A_77, %dma_wait3A_78] : memref<2000000x64xf32, #tpu.memory_space<hbm>> -> memref<2000000x64xf32, #tpu.memory_space<hbm>>
    tpu.wait_indirect_dma semaphore(%arg14 : memref<!tpu.dma_semaphore, #tpu.memory_space<semaphore_mem>>) src(%dma_wait3A_79 : memref<2000000x64xf32, #tpu.memory_space<hbm>>) dst(%arg8 : memref<128x64xf32, #tpu.memory_space<vmem>>)
    %add3A_80 = arith.constant 200 : i32
    %add3A_81 = arith.addi %mul3A_4, %add3A_80 : i32
    %add3A_82 = arith.constant 128 : i32
    %add3A_83 = arith.addi %add3A_81, %add3A_82 : i32
    %dma_wait3A_84 = arith.constant 1 : i32
    %dma_wait3A_85 = arith.constant 128 : i32
    %dma_wait3A_86 = tpu.memref_slice %arg5[%dma_wait3A_84, %dma_wait3A_85] : memref<128x200xi32, #tpu.memory_space<vmem>> -> memref<1x72xi32, #tpu.memory_space<vmem>>
    %dma_wait3A_87 = tpu.memref_squeeze %dma_wait3A_86 : memref<1x72xi32, #tpu.memory_space<vmem>> -> memref<72xi32, #tpu.memory_space<vmem>>
    %dma_wait3A_88 = arith.constant 0 : i32
    %dma_wait3A_89 = arith.constant 0 : i32
    %dma_wait3A_90 = tpu.memref_slice %arg2[%dma_wait3A_88, %dma_wait3A_89] : memref<2000000x64xf32, #tpu.memory_space<hbm>> -> memref<2000000x64xf32, #tpu.memory_space<hbm>>
    tpu.wait_indirect_dma semaphore(%arg14 : memref<!tpu.dma_semaphore, #tpu.memory_space<semaphore_mem>>) src(%dma_wait3A_90 : memref<2000000x64xf32, #tpu.memory_space<hbm>>) dst(%arg9 : memref<72x64xf32, #tpu.memory_space<vmem>>)
    %add3A_91 = arith.constant 0 : i32
    %add3A_92 = arith.addi %mul3A_4, %add3A_91 : i32
    %add3A_93 = arith.constant 0 : i32
    %add3A_94 = arith.addi %add3A_92, %add3A_93 : i32
    %dma_start3A_95 = arith.constant 0 : i32
    %dma_start3A_96 = tpu.memref_slice %arg4[%add3A_94, %dma_start3A_95] : memref<819200x128xf32, #tpu.memory_space<hbm>> -> memref<128x64xf32, #tpu.memory_space<hbm>>
    %dma_start3A_97 = arith.constant 0 : i32
    %dma_start3A_98 = tpu.memref_slice %arg4[%add3A_94, %dma_start3A_97] : memref<819200x128xf32, #tpu.memory_space<hbm>> -> memref<128x64xf32, #tpu.memory_space<hbm>>
    tpu.enqueue_dma source(%arg6 : memref<128x64xf32, #tpu.memory_space<vmem>>) target(%dma_start3A_98 : memref<128x64xf32, #tpu.memory_space<hbm>>) target_semaphore(%arg16 : memref<!tpu.dma_semaphore, #tpu.memory_space<semaphore_mem>>)
    %add3A_99 = arith.constant 0 : i32
    %add3A_100 = arith.addi %mul3A_4, %add3A_99 : i32
    %add3A_101 = arith.constant 128 : i32
    %add3A_102 = arith.addi %add3A_100, %add3A_101 : i32
    %dma_start3A_103 = arith.constant 0 : i32
    %dma_start3A_104 = tpu.memref_slice %arg4[%add3A_102, %dma_start3A_103] : memref<819200x128xf32, #tpu.memory_space<hbm>> -> memref<72x64xf32, #tpu.memory_space<hbm>>
    %dma_start3A_105 = arith.constant 0 : i32
    %dma_start3A_106 = tpu.memref_slice %arg4[%add3A_102, %dma_start3A_105] : memref<819200x128xf32, #tpu.memory_space<hbm>> -> memref<72x64xf32, #tpu.memory_space<hbm>>
    tpu.enqueue_dma source(%arg7 : memref<72x64xf32, #tpu.memory_space<vmem>>) target(%dma_start3A_106 : memref<72x64xf32, #tpu.memory_space<hbm>>) target_semaphore(%arg16 : memref<!tpu.dma_semaphore, #tpu.memory_space<semaphore_mem>>)
    %add3A_107 = arith.constant 200 : i32
    %add3A_108 = arith.addi %mul3A_4, %add3A_107 : i32
    %add3A_109 = arith.constant 0 : i32
    %add3A_110 = arith.addi %add3A_108, %add3A_109 : i32
    %dma_start3A_111 = arith.constant 0 : i32
    %dma_start3A_112 = tpu.memref_slice %arg4[%add3A_110, %dma_start3A_111] : memref<819200x128xf32, #tpu.memory_space<hbm>> -> memref<128x64xf32, #tpu.memory_space<hbm>>
    %dma_start3A_113 = arith.constant 0 : i32
    %dma_start3A_114 = tpu.memref_slice %arg4[%add3A_110, %dma_start3A_113] : memref<819200x128xf32, #tpu.memory_space<hbm>> -> memref<128x64xf32, #tpu.memory_space<hbm>>
    tpu.enqueue_dma source(%arg8 : memref<128x64xf32, #tpu.memory_space<vmem>>) target(%dma_start3A_114 : memref<128x64xf32, #tpu.memory_space<hbm>>) target_semaphore(%arg16 : memref<!tpu.dma_semaphore, #tpu.memory_space<semaphore_mem>>)
    %add3A_115 = arith.constant 200 : i32
    %add3A_116 = arith.addi %mul3A_4, %add3A_115 : i32
    %add3A_117 = arith.constant 128 : i32
    %add3A_118 = arith.addi %add3A_116, %add3A_117 : i32
    %dma_start3A_119 = arith.constant 0 : i32
    %dma_start3A_120 = tpu.memref_slice %arg4[%add3A_118, %dma_start3A_119] : memref<819200x128xf32, #tpu.memory_space<hbm>> -> memref<72x64xf32, #tpu.memory_space<hbm>>
    %dma_start3A_121 = arith.constant 0 : i32
    %dma_start3A_122 = tpu.memref_slice %arg4[%add3A_118, %dma_start3A_121] : memref<819200x128xf32, #tpu.memory_space<hbm>> -> memref<72x64xf32, #tpu.memory_space<hbm>>
    tpu.enqueue_dma source(%arg9 : memref<72x64xf32, #tpu.memory_space<vmem>>) target(%dma_start3A_122 : memref<72x64xf32, #tpu.memory_space<hbm>>) target_semaphore(%arg16 : memref<!tpu.dma_semaphore, #tpu.memory_space<semaphore_mem>>)
    %add3A_123 = arith.constant 400 : i32
    %add3A_124 = arith.addi %mul3A_4, %add3A_123 : i32
    %add3A_125 = arith.constant 0 : i32
    %add3A_126 = arith.addi %add3A_124, %add3A_125 : i32
    %dma_start3A_127 = arith.constant 2 : i32
    %dma_start3A_128 = arith.constant 0 : i32
    %dma_start3A_129 = tpu.memref_slice %arg5[%dma_start3A_127, %dma_start3A_128] : memref<128x200xi32, #tpu.memory_space<vmem>> -> memref<1x128xi32, #tpu.memory_space<vmem>>
    %dma_start3A_130 = tpu.memref_squeeze %dma_start3A_129 : memref<1x128xi32, #tpu.memory_space<vmem>> -> memref<128xi32, #tpu.memory_space<vmem>>
    %dma_start3A_131 = arith.constant 0 : i32
    %dma_start3A_132 = arith.constant 0 : i32
    %dma_start3A_133 = tpu.memref_slice %arg2[%dma_start3A_131, %dma_start3A_132] : memref<2000000x64xf32, #tpu.memory_space<hbm>> -> memref<2000000x64xf32, #tpu.memory_space<hbm>>
    tpu.enqueue_indirect_dma source(%dma_start3A_133 : memref<2000000x64xf32, #tpu.memory_space<hbm>>) target(%arg10 : memref<128x64xf32, #tpu.memory_space<vmem>>) offsets(%dma_start3A_130 : memref<128xi32, #tpu.memory_space<vmem>>) semaphore(%arg15 : memref<!tpu.dma_semaphore, #tpu.memory_space<semaphore_mem>>)
    %add3A_134 = arith.constant 400 : i32
    %add3A_135 = arith.addi %mul3A_4, %add3A_134 : i32
    %add3A_136 = arith.constant 128 : i32
    %add3A_137 = arith.addi %add3A_135, %add3A_136 : i32
    %dma_start3A_138 = arith.constant 2 : i32
    %dma_start3A_139 = arith.constant 128 : i32
    %dma_start3A_140 = tpu.memref_slice %arg5[%dma_start3A_138, %dma_start3A_139] : memref<128x200xi32, #tpu.memory_space<vmem>> -> memref<1x72xi32, #tpu.memory_space<vmem>>
    %dma_start3A_141 = tpu.memref_squeeze %dma_start3A_140 : memref<1x72xi32, #tpu.memory_space<vmem>> -> memref<72xi32, #tpu.memory_space<vmem>>
    %dma_start3A_142 = arith.constant 0 : i32
    %dma_start3A_143 = arith.constant 0 : i32
    %dma_start3A_144 = tpu.memref_slice %arg2[%dma_start3A_142, %dma_start3A_143] : memref<2000000x64xf32, #tpu.memory_space<hbm>> -> memref<2000000x64xf32, #tpu.memory_space<hbm>>
    tpu.enqueue_indirect_dma source(%dma_start3A_144 : memref<2000000x64xf32, #tpu.memory_space<hbm>>) target(%arg11 : memref<72x64xf32, #tpu.memory_space<vmem>>) offsets(%dma_start3A_141 : memref<72xi32, #tpu.memory_space<vmem>>) semaphore(%arg15 : memref<!tpu.dma_semaphore, #tpu.memory_space<semaphore_mem>>)
    %add3A_145 = arith.constant 600 : i32
    %add3A_146 = arith.addi %mul3A_4, %add3A_145 : i32
    %add3A_147 = arith.constant 0 : i32
    %add3A_148 = arith.addi %add3A_146, %add3A_147 : i32
    %dma_start3A_149 = arith.constant 3 : i32
    %dma_start3A_150 = arith.constant 0 : i32
    %dma_start3A_151 = tpu.memref_slice %arg5[%dma_start3A_149, %dma_start3A_150] : memref<128x200xi32, #tpu.memory_space<vmem>> -> memref<1x128xi32, #tpu.memory_space<vmem>>
    %dma_start3A_152 = tpu.memref_squeeze %dma_start3A_151 : memref<1x128xi32, #tpu.memory_space<vmem>> -> memref<128xi32, #tpu.memory_space<vmem>>
    %dma_start3A_153 = arith.constant 0 : i32
    %dma_start3A_154 = arith.constant 0 : i32
    %dma_start3A_155 = tpu.memref_slice %arg2[%dma_start3A_153, %dma_start3A_154] : memref<2000000x64xf32, #tpu.memory_space<hbm>> -> memref<2000000x64xf32, #tpu.memory_space<hbm>>
    tpu.enqueue_indirect_dma source(%dma_start3A_155 : memref<2000000x64xf32, #tpu.memory_space<hbm>>) target(%arg12 : memref<128x64xf32, #tpu.memory_space<vmem>>) offsets(%dma_start3A_152 : memref<128xi32, #tpu.memory_space<vmem>>) semaphore(%arg15 : memref<!tpu.dma_semaphore, #tpu.memory_space<semaphore_mem>>)
    %add3A_156 = arith.constant 600 : i32
    %add3A_157 = arith.addi %mul3A_4, %add3A_156 : i32
    %add3A_158 = arith.constant 128 : i32
    %add3A_159 = arith.addi %add3A_157, %add3A_158 : i32
    %dma_start3A_160 = arith.constant 3 : i32
    %dma_start3A_161 = arith.constant 128 : i32
    %dma_start3A_162 = tpu.memref_slice %arg5[%dma_start3A_160, %dma_start3A_161] : memref<128x200xi32, #tpu.memory_space<vmem>> -> memref<1x72xi32, #tpu.memory_space<vmem>>
    %dma_start3A_163 = tpu.memref_squeeze %dma_start3A_162 : memref<1x72xi32, #tpu.memory_space<vmem>> -> memref<72xi32, #tpu.memory_space<vmem>>
    %dma_start3A_164 = arith.constant 0 : i32
    %dma_start3A_165 = arith.constant 0 : i32
    %dma_start3A_166 = tpu.memref_slice %arg2[%dma_start3A_164, %dma_start3A_165] : memref<2000000x64xf32, #tpu.memory_space<hbm>> -> memref<2000000x64xf32, #tpu.memory_space<hbm>>
    tpu.enqueue_indirect_dma source(%dma_start3A_166 : memref<2000000x64xf32, #tpu.memory_space<hbm>>) target(%arg13 : memref<72x64xf32, #tpu.memory_space<vmem>>) offsets(%dma_start3A_163 : memref<72xi32, #tpu.memory_space<vmem>>) semaphore(%arg15 : memref<!tpu.dma_semaphore, #tpu.memory_space<semaphore_mem>>)
    %scan3A = arith.constant 0 : i32
    %scan3A_167 = arith.constant 0 : i32
    %scan3A_168 = arith.constant 31 : i32
    %scan3A_169 = arith.addi %scan3A_167, %scan3A_168 : i32
    %scan3A_170 = arith.constant 1 : i32
    scf.for %scan3A_312 = %scan3A_167 to %scan3A_169 step %scan3A_170  : i32 {
      %mul3A_313 = arith.constant 2 : i32
      %mul3A_314 = arith.muli %mul3A_313, %scan3A_312 : i32
      %add3A_315 = arith.constant 1 : i32
      %add3A_316 = arith.addi %mul3A_314, %add3A_315 : i32
      %add3A_317 = arith.constant 1 : i32
      %add3A_318 = arith.addi %add3A_316, %add3A_317 : i32
      %mul3A_319 = arith.constant 2 : i32
      %mul3A_320 = arith.muli %add3A_316, %mul3A_319 : i32
      %add3A_321 = arith.constant 0 : i32
      %add3A_322 = arith.addi %mul3A_320, %add3A_321 : i32
      %mul3A_323 = arith.constant 200 : i32
      %mul3A_324 = arith.muli %add3A_322, %mul3A_323 : i32
      %add3A_325 = arith.addi %mul3A_4, %mul3A_324 : i32
      %add3A_326 = arith.constant 0 : i32
      %add3A_327 = arith.addi %add3A_325, %add3A_326 : i32
      %dma_wait3A_328 = arith.constant 0 : i32
      %dma_wait3A_329 = tpu.memref_slice %arg5[%add3A_322, %dma_wait3A_328] : memref<128x200xi32, #tpu.memory_space<vmem>> -> memref<1x128xi32, #tpu.memory_space<vmem>>
      %dma_wait3A_330 = tpu.memref_squeeze %dma_wait3A_329 : memref<1x128xi32, #tpu.memory_space<vmem>> -> memref<128xi32, #tpu.memory_space<vmem>>
      %dma_wait3A_331 = arith.constant 0 : i32
      %dma_wait3A_332 = arith.constant 0 : i32
      %dma_wait3A_333 = tpu.memref_slice %arg2[%dma_wait3A_331, %dma_wait3A_332] : memref<2000000x64xf32, #tpu.memory_space<hbm>> -> memref<2000000x64xf32, #tpu.memory_space<hbm>>
      tpu.wait_indirect_dma semaphore(%arg15 : memref<!tpu.dma_semaphore, #tpu.memory_space<semaphore_mem>>) src(%dma_wait3A_333 : memref<2000000x64xf32, #tpu.memory_space<hbm>>) dst(%arg10 : memref<128x64xf32, #tpu.memory_space<vmem>>)
      %mul3A_334 = arith.constant 2 : i32
      %mul3A_335 = arith.muli %add3A_316, %mul3A_334 : i32
      %add3A_336 = arith.constant 0 : i32
      %add3A_337 = arith.addi %mul3A_335, %add3A_336 : i32
      %mul3A_338 = arith.constant 200 : i32
      %mul3A_339 = arith.muli %add3A_337, %mul3A_338 : i32
      %add3A_340 = arith.addi %mul3A_4, %mul3A_339 : i32
      %add3A_341 = arith.constant 128 : i32
      %add3A_342 = arith.addi %add3A_340, %add3A_341 : i32
      %dma_wait3A_343 = arith.constant 128 : i32
      %dma_wait3A_344 = tpu.memref_slice %arg5[%add3A_337, %dma_wait3A_343] : memref<128x200xi32, #tpu.memory_space<vmem>> -> memref<1x72xi32, #tpu.memory_space<vmem>>
      %dma_wait3A_345 = tpu.memref_squeeze %dma_wait3A_344 : memref<1x72xi32, #tpu.memory_space<vmem>> -> memref<72xi32, #tpu.memory_space<vmem>>
      %dma_wait3A_346 = arith.constant 0 : i32
      %dma_wait3A_347 = arith.constant 0 : i32
      %dma_wait3A_348 = tpu.memref_slice %arg2[%dma_wait3A_346, %dma_wait3A_347] : memref<2000000x64xf32, #tpu.memory_space<hbm>> -> memref<2000000x64xf32, #tpu.memory_space<hbm>>
      tpu.wait_indirect_dma semaphore(%arg15 : memref<!tpu.dma_semaphore, #tpu.memory_space<semaphore_mem>>) src(%dma_wait3A_348 : memref<2000000x64xf32, #tpu.memory_space<hbm>>) dst(%arg11 : memref<72x64xf32, #tpu.memory_space<vmem>>)
      %mul3A_349 = arith.constant 2 : i32
      %mul3A_350 = arith.muli %add3A_316, %mul3A_349 : i32
      %add3A_351 = arith.constant 1 : i32
      %add3A_352 = arith.addi %mul3A_350, %add3A_351 : i32
      %mul3A_353 = arith.constant 200 : i32
      %mul3A_354 = arith.muli %add3A_352, %mul3A_353 : i32
      %add3A_355 = arith.addi %mul3A_4, %mul3A_354 : i32
      %add3A_356 = arith.constant 0 : i32
      %add3A_357 = arith.addi %add3A_355, %add3A_356 : i32
      %dma_wait3A_358 = arith.constant 0 : i32
      %dma_wait3A_359 = tpu.memref_slice %arg5[%add3A_352, %dma_wait3A_358] : memref<128x200xi32, #tpu.memory_space<vmem>> -> memref<1x128xi32, #tpu.memory_space<vmem>>
      %dma_wait3A_360 = tpu.memref_squeeze %dma_wait3A_359 : memref<1x128xi32, #tpu.memory_space<vmem>> -> memref<128xi32, #tpu.memory_space<vmem>>
      %dma_wait3A_361 = arith.constant 0 : i32
      %dma_wait3A_362 = arith.constant 0 : i32
      %dma_wait3A_363 = tpu.memref_slice %arg2[%dma_wait3A_361, %dma_wait3A_362] : memref<2000000x64xf32, #tpu.memory_space<hbm>> -> memref<2000000x64xf32, #tpu.memory_space<hbm>>
      tpu.wait_indirect_dma semaphore(%arg15 : memref<!tpu.dma_semaphore, #tpu.memory_space<semaphore_mem>>) src(%dma_wait3A_363 : memref<2000000x64xf32, #tpu.memory_space<hbm>>) dst(%arg12 : memref<128x64xf32, #tpu.memory_space<vmem>>)
      %mul3A_364 = arith.constant 2 : i32
      %mul3A_365 = arith.muli %add3A_316, %mul3A_364 : i32
      %add3A_366 = arith.constant 1 : i32
      %add3A_367 = arith.addi %mul3A_365, %add3A_366 : i32
      %mul3A_368 = arith.constant 200 : i32
      %mul3A_369 = arith.muli %add3A_367, %mul3A_368 : i32
      %add3A_370 = arith.addi %mul3A_4, %mul3A_369 : i32
      %add3A_371 = arith.constant 128 : i32
      %add3A_372 = arith.addi %add3A_370, %add3A_371 : i32
      %dma_wait3A_373 = arith.constant 128 : i32
      %dma_wait3A_374 = tpu.memref_slice %arg5[%add3A_367, %dma_wait3A_373] : memref<128x200xi32, #tpu.memory_space<vmem>> -> memref<1x72xi32, #tpu.memory_space<vmem>>
      %dma_wait3A_375 = tpu.memref_squeeze %dma_wait3A_374 : memref<1x72xi32, #tpu.memory_space<vmem>> -> memref<72xi32, #tpu.memory_space<vmem>>
      %dma_wait3A_376 = arith.constant 0 : i32
      %dma_wait3A_377 = arith.constant 0 : i32
      %dma_wait3A_378 = tpu.memref_slice %arg2[%dma_wait3A_376, %dma_wait3A_377] : memref<2000000x64xf32, #tpu.memory_space<hbm>> -> memref<2000000x64xf32, #tpu.memory_space<hbm>>
      tpu.wait_indirect_dma semaphore(%arg15 : memref<!tpu.dma_semaphore, #tpu.memory_space<semaphore_mem>>) src(%dma_wait3A_378 : memref<2000000x64xf32, #tpu.memory_space<hbm>>) dst(%arg13 : memref<72x64xf32, #tpu.memory_space<vmem>>)
      %mul3A_379 = arith.constant 2 : i32
      %mul3A_380 = arith.muli %add3A_316, %mul3A_379 : i32
      %add3A_381 = arith.constant 0 : i32
      %add3A_382 = arith.addi %mul3A_380, %add3A_381 : i32
      %mul3A_383 = arith.constant 200 : i32
      %mul3A_384 = arith.muli %add3A_382, %mul3A_383 : i32
      %add3A_385 = arith.addi %mul3A_4, %mul3A_384 : i32
      %add3A_386 = arith.constant 0 : i32
      %add3A_387 = arith.addi %add3A_385, %add3A_386 : i32
      %dma_start3A_388 = arith.constant 0 : i32
      %dma_start3A_389 = tpu.memref_slice %arg4[%add3A_387, %dma_start3A_388] : memref<819200x128xf32, #tpu.memory_space<hbm>> -> memref<128x64xf32, #tpu.memory_space<hbm>>
      %dma_start3A_390 = arith.constant 0 : i32
      %dma_start3A_391 = tpu.memref_slice %arg4[%add3A_387, %dma_start3A_390] : memref<819200x128xf32, #tpu.memory_space<hbm>> -> memref<128x64xf32, #tpu.memory_space<hbm>>
      tpu.enqueue_dma source(%arg10 : memref<128x64xf32, #tpu.memory_space<vmem>>) target(%dma_start3A_391 : memref<128x64xf32, #tpu.memory_space<hbm>>) target_semaphore(%arg17 : memref<!tpu.dma_semaphore, #tpu.memory_space<semaphore_mem>>)
      %mul3A_392 = arith.constant 2 : i32
      %mul3A_393 = arith.muli %add3A_316, %mul3A_392 : i32
      %add3A_394 = arith.constant 0 : i32
      %add3A_395 = arith.addi %mul3A_393, %add3A_394 : i32
      %mul3A_396 = arith.constant 200 : i32
      %mul3A_397 = arith.muli %add3A_395, %mul3A_396 : i32
      %add3A_398 = arith.addi %mul3A_4, %mul3A_397 : i32
      %add3A_399 = arith.constant 128 : i32
      %add3A_400 = arith.addi %add3A_398, %add3A_399 : i32
      %dma_start3A_401 = arith.constant 0 : i32
      %dma_start3A_402 = tpu.memref_slice %arg4[%add3A_400, %dma_start3A_401] : memref<819200x128xf32, #tpu.memory_space<hbm>> -> memref<72x64xf32, #tpu.memory_space<hbm>>
      %dma_start3A_403 = arith.constant 0 : i32
      %dma_start3A_404 = tpu.memref_slice %arg4[%add3A_400, %dma_start3A_403] : memref<819200x128xf32, #tpu.memory_space<hbm>> -> memref<72x64xf32, #tpu.memory_space<hbm>>
      tpu.enqueue_dma source(%arg11 : memref<72x64xf32, #tpu.memory_space<vmem>>) target(%dma_start3A_404 : memref<72x64xf32, #tpu.memory_space<hbm>>) target_semaphore(%arg17 : memref<!tpu.dma_semaphore, #tpu.memory_space<semaphore_mem>>)
      %mul3A_405 = arith.constant 2 : i32
      %mul3A_406 = arith.muli %add3A_316, %mul3A_405 : i32
      %add3A_407 = arith.constant 1 : i32
      %add3A_408 = arith.addi %mul3A_406, %add3A_407 : i32
      %mul3A_409 = arith.constant 200 : i32
      %mul3A_410 = arith.muli %add3A_408, %mul3A_409 : i32
      %add3A_411 = arith.addi %mul3A_4, %mul3A_410 : i32
      %add3A_412 = arith.constant 0 : i32
      %add3A_413 = arith.addi %add3A_411, %add3A_412 : i32
      %dma_start3A_414 = arith.constant 0 : i32
      %dma_start3A_415 = tpu.memref_slice %arg4[%add3A_413, %dma_start3A_414] : memref<819200x128xf32, #tpu.memory_space<hbm>> -> memref<128x64xf32, #tpu.memory_space<hbm>>
      %dma_start3A_416 = arith.constant 0 : i32
      %dma_start3A_417 = tpu.memref_slice %arg4[%add3A_413, %dma_start3A_416] : memref<819200x128xf32, #tpu.memory_space<hbm>> -> memref<128x64xf32, #tpu.memory_space<hbm>>
      tpu.enqueue_dma source(%arg12 : memref<128x64xf32, #tpu.memory_space<vmem>>) target(%dma_start3A_417 : memref<128x64xf32, #tpu.memory_space<hbm>>) target_semaphore(%arg17 : memref<!tpu.dma_semaphore, #tpu.memory_space<semaphore_mem>>)
      %mul3A_418 = arith.constant 2 : i32
      %mul3A_419 = arith.muli %add3A_316, %mul3A_418 : i32
      %add3A_420 = arith.constant 1 : i32
      %add3A_421 = arith.addi %mul3A_419, %add3A_420 : i32
      %mul3A_422 = arith.constant 200 : i32
      %mul3A_423 = arith.muli %add3A_421, %mul3A_422 : i32
      %add3A_424 = arith.addi %mul3A_4, %mul3A_423 : i32
      %add3A_425 = arith.constant 128 : i32
      %add3A_426 = arith.addi %add3A_424, %add3A_425 : i32
      %dma_start3A_427 = arith.constant 0 : i32
      %dma_start3A_428 = tpu.memref_slice %arg4[%add3A_426, %dma_start3A_427] : memref<819200x128xf32, #tpu.memory_space<hbm>> -> memref<72x64xf32, #tpu.memory_space<hbm>>
      %dma_start3A_429 = arith.constant 0 : i32
      %dma_start3A_430 = tpu.memref_slice %arg4[%add3A_426, %dma_start3A_429] : memref<819200x128xf32, #tpu.memory_space<hbm>> -> memref<72x64xf32, #tpu.memory_space<hbm>>
      tpu.enqueue_dma source(%arg13 : memref<72x64xf32, #tpu.memory_space<vmem>>) target(%dma_start3A_430 : memref<72x64xf32, #tpu.memory_space<hbm>>) target_semaphore(%arg17 : memref<!tpu.dma_semaphore, #tpu.memory_space<semaphore_mem>>)
      %sub3A = arith.constant 1 : i32
      %sub3A_431 = arith.subi %add3A_316, %sub3A : i32
      %mul3A_432 = arith.constant 2 : i32
      %mul3A_433 = arith.muli %sub3A_431, %mul3A_432 : i32
      %add3A_434 = arith.constant 0 : i32
      %add3A_435 = arith.addi %mul3A_433, %add3A_434 : i32
      %mul3A_436 = arith.constant 200 : i32
      %mul3A_437 = arith.muli %add3A_435, %mul3A_436 : i32
      %add3A_438 = arith.addi %mul3A_4, %mul3A_437 : i32
      %add3A_439 = arith.constant 0 : i32
      %add3A_440 = arith.addi %add3A_438, %add3A_439 : i32
      %dma_wait3A_441 = arith.constant 0 : i32
      %dma_wait3A_442 = tpu.memref_slice %arg4[%add3A_440, %dma_wait3A_441] : memref<819200x128xf32, #tpu.memory_space<hbm>> -> memref<128x64xf32, #tpu.memory_space<hbm>>
      %dma_wait3A_443 = arith.constant 0 : i32
      %dma_wait3A_444 = tpu.memref_slice %arg4[%add3A_440, %dma_wait3A_443] : memref<819200x128xf32, #tpu.memory_space<hbm>> -> memref<128x64xf32, #tpu.memory_space<hbm>>
      tpu.wait_dma2 semaphore(%arg16 : memref<!tpu.dma_semaphore, #tpu.memory_space<semaphore_mem>>) src(%arg6 : memref<128x64xf32, #tpu.memory_space<vmem>>) dst(%dma_wait3A_444 : memref<128x64xf32, #tpu.memory_space<hbm>>)
      %mul3A_445 = arith.constant 2 : i32
      %mul3A_446 = arith.muli %sub3A_431, %mul3A_445 : i32
      %add3A_447 = arith.constant 0 : i32
      %add3A_448 = arith.addi %mul3A_446, %add3A_447 : i32
      %mul3A_449 = arith.constant 200 : i32
      %mul3A_450 = arith.muli %add3A_448, %mul3A_449 : i32
      %add3A_451 = arith.addi %mul3A_4, %mul3A_450 : i32
      %add3A_452 = arith.constant 128 : i32
      %add3A_453 = arith.addi %add3A_451, %add3A_452 : i32
      %dma_wait3A_454 = arith.constant 0 : i32
      %dma_wait3A_455 = tpu.memref_slice %arg4[%add3A_453, %dma_wait3A_454] : memref<819200x128xf32, #tpu.memory_space<hbm>> -> memref<72x64xf32, #tpu.memory_space<hbm>>
      %dma_wait3A_456 = arith.constant 0 : i32
      %dma_wait3A_457 = tpu.memref_slice %arg4[%add3A_453, %dma_wait3A_456] : memref<819200x128xf32, #tpu.memory_space<hbm>> -> memref<72x64xf32, #tpu.memory_space<hbm>>
      tpu.wait_dma2 semaphore(%arg16 : memref<!tpu.dma_semaphore, #tpu.memory_space<semaphore_mem>>) src(%arg7 : memref<72x64xf32, #tpu.memory_space<vmem>>) dst(%dma_wait3A_457 : memref<72x64xf32, #tpu.memory_space<hbm>>)
      %mul3A_458 = arith.constant 2 : i32
      %mul3A_459 = arith.muli %sub3A_431, %mul3A_458 : i32
      %add3A_460 = arith.constant 1 : i32
      %add3A_461 = arith.addi %mul3A_459, %add3A_460 : i32
      %mul3A_462 = arith.constant 200 : i32
      %mul3A_463 = arith.muli %add3A_461, %mul3A_462 : i32
      %add3A_464 = arith.addi %mul3A_4, %mul3A_463 : i32
      %add3A_465 = arith.constant 0 : i32
      %add3A_466 = arith.addi %add3A_464, %add3A_465 : i32
      %dma_wait3A_467 = arith.constant 0 : i32
      %dma_wait3A_468 = tpu.memref_slice %arg4[%add3A_466, %dma_wait3A_467] : memref<819200x128xf32, #tpu.memory_space<hbm>> -> memref<128x64xf32, #tpu.memory_space<hbm>>
      %dma_wait3A_469 = arith.constant 0 : i32
      %dma_wait3A_470 = tpu.memref_slice %arg4[%add3A_466, %dma_wait3A_469] : memref<819200x128xf32, #tpu.memory_space<hbm>> -> memref<128x64xf32, #tpu.memory_space<hbm>>
      tpu.wait_dma2 semaphore(%arg16 : memref<!tpu.dma_semaphore, #tpu.memory_space<semaphore_mem>>) src(%arg8 : memref<128x64xf32, #tpu.memory_space<vmem>>) dst(%dma_wait3A_470 : memref<128x64xf32, #tpu.memory_space<hbm>>)
      %mul3A_471 = arith.constant 2 : i32
      %mul3A_472 = arith.muli %sub3A_431, %mul3A_471 : i32
      %add3A_473 = arith.constant 1 : i32
      %add3A_474 = arith.addi %mul3A_472, %add3A_473 : i32
      %mul3A_475 = arith.constant 200 : i32
      %mul3A_476 = arith.muli %add3A_474, %mul3A_475 : i32
      %add3A_477 = arith.addi %mul3A_4, %mul3A_476 : i32
      %add3A_478 = arith.constant 128 : i32
      %add3A_479 = arith.addi %add3A_477, %add3A_478 : i32
      %dma_wait3A_480 = arith.constant 0 : i32
      %dma_wait3A_481 = tpu.memref_slice %arg4[%add3A_479, %dma_wait3A_480] : memref<819200x128xf32, #tpu.memory_space<hbm>> -> memref<72x64xf32, #tpu.memory_space<hbm>>
      %dma_wait3A_482 = arith.constant 0 : i32
      %dma_wait3A_483 = tpu.memref_slice %arg4[%add3A_479, %dma_wait3A_482] : memref<819200x128xf32, #tpu.memory_space<hbm>> -> memref<72x64xf32, #tpu.memory_space<hbm>>
      tpu.wait_dma2 semaphore(%arg16 : memref<!tpu.dma_semaphore, #tpu.memory_space<semaphore_mem>>) src(%arg9 : memref<72x64xf32, #tpu.memory_space<vmem>>) dst(%dma_wait3A_483 : memref<72x64xf32, #tpu.memory_space<hbm>>)
      %mul3A_484 = arith.constant 2 : i32
      %mul3A_485 = arith.muli %add3A_318, %mul3A_484 : i32
      %add3A_486 = arith.constant 0 : i32
      %add3A_487 = arith.addi %mul3A_485, %add3A_486 : i32
      %mul3A_488 = arith.constant 200 : i32
      %mul3A_489 = arith.muli %add3A_487, %mul3A_488 : i32
      %add3A_490 = arith.addi %mul3A_4, %mul3A_489 : i32
      %add3A_491 = arith.constant 0 : i32
      %add3A_492 = arith.addi %add3A_490, %add3A_491 : i32
      %dma_start3A_493 = arith.constant 0 : i32
      %dma_start3A_494 = tpu.memref_slice %arg5[%add3A_487, %dma_start3A_493] : memref<128x200xi32, #tpu.memory_space<vmem>> -> memref<1x128xi32, #tpu.memory_space<vmem>>
      %dma_start3A_495 = tpu.memref_squeeze %dma_start3A_494 : memref<1x128xi32, #tpu.memory_space<vmem>> -> memref<128xi32, #tpu.memory_space<vmem>>
      %dma_start3A_496 = arith.constant 0 : i32
      %dma_start3A_497 = arith.constant 0 : i32
      %dma_start3A_498 = tpu.memref_slice %arg2[%dma_start3A_496, %dma_start3A_497] : memref<2000000x64xf32, #tpu.memory_space<hbm>> -> memref<2000000x64xf32, #tpu.memory_space<hbm>>
      tpu.enqueue_indirect_dma source(%dma_start3A_498 : memref<2000000x64xf32, #tpu.memory_space<hbm>>) target(%arg6 : memref<128x64xf32, #tpu.memory_space<vmem>>) offsets(%dma_start3A_495 : memref<128xi32, #tpu.memory_space<vmem>>) semaphore(%arg14 : memref<!tpu.dma_semaphore, #tpu.memory_space<semaphore_mem>>)
      %mul3A_499 = arith.constant 2 : i32
      %mul3A_500 = arith.muli %add3A_318, %mul3A_499 : i32
      %add3A_501 = arith.constant 0 : i32
      %add3A_502 = arith.addi %mul3A_500, %add3A_501 : i32
      %mul3A_503 = arith.constant 200 : i32
      %mul3A_504 = arith.muli %add3A_502, %mul3A_503 : i32
      %add3A_505 = arith.addi %mul3A_4, %mul3A_504 : i32
      %add3A_506 = arith.constant 128 : i32
      %add3A_507 = arith.addi %add3A_505, %add3A_506 : i32
      %dma_start3A_508 = arith.constant 128 : i32
      %dma_start3A_509 = tpu.memref_slice %arg5[%add3A_502, %dma_start3A_508] : memref<128x200xi32, #tpu.memory_space<vmem>> -> memref<1x72xi32, #tpu.memory_space<vmem>>
      %dma_start3A_510 = tpu.memref_squeeze %dma_start3A_509 : memref<1x72xi32, #tpu.memory_space<vmem>> -> memref<72xi32, #tpu.memory_space<vmem>>
      %dma_start3A_511 = arith.constant 0 : i32
      %dma_start3A_512 = arith.constant 0 : i32
      %dma_start3A_513 = tpu.memref_slice %arg2[%dma_start3A_511, %dma_start3A_512] : memref<2000000x64xf32, #tpu.memory_space<hbm>> -> memref<2000000x64xf32, #tpu.memory_space<hbm>>
      tpu.enqueue_indirect_dma source(%dma_start3A_513 : memref<2000000x64xf32, #tpu.memory_space<hbm>>) target(%arg7 : memref<72x64xf32, #tpu.memory_space<vmem>>) offsets(%dma_start3A_510 : memref<72xi32, #tpu.memory_space<vmem>>) semaphore(%arg14 : memref<!tpu.dma_semaphore, #tpu.memory_space<semaphore_mem>>)
      %mul3A_514 = arith.constant 2 : i32
      %mul3A_515 = arith.muli %add3A_318, %mul3A_514 : i32
      %add3A_516 = arith.constant 1 : i32
      %add3A_517 = arith.addi %mul3A_515, %add3A_516 : i32
      %mul3A_518 = arith.constant 200 : i32
      %mul3A_519 = arith.muli %add3A_517, %mul3A_518 : i32
      %add3A_520 = arith.addi %mul3A_4, %mul3A_519 : i32
      %add3A_521 = arith.constant 0 : i32
      %add3A_522 = arith.addi %add3A_520, %add3A_521 : i32
      %dma_start3A_523 = arith.constant 0 : i32
      %dma_start3A_524 = tpu.memref_slice %arg5[%add3A_517, %dma_start3A_523] : memref<128x200xi32, #tpu.memory_space<vmem>> -> memref<1x128xi32, #tpu.memory_space<vmem>>
      %dma_start3A_525 = tpu.memref_squeeze %dma_start3A_524 : memref<1x128xi32, #tpu.memory_space<vmem>> -> memref<128xi32, #tpu.memory_space<vmem>>
      %dma_start3A_526 = arith.constant 0 : i32
      %dma_start3A_527 = arith.constant 0 : i32
      %dma_start3A_528 = tpu.memref_slice %arg2[%dma_start3A_526, %dma_start3A_527] : memref<2000000x64xf32, #tpu.memory_space<hbm>> -> memref<2000000x64xf32, #tpu.memory_space<hbm>>
      tpu.enqueue_indirect_dma source(%dma_start3A_528 : memref<2000000x64xf32, #tpu.memory_space<hbm>>) target(%arg8 : memref<128x64xf32, #tpu.memory_space<vmem>>) offsets(%dma_start3A_525 : memref<128xi32, #tpu.memory_space<vmem>>) semaphore(%arg14 : memref<!tpu.dma_semaphore, #tpu.memory_space<semaphore_mem>>)
      %mul3A_529 = arith.constant 2 : i32
      %mul3A_530 = arith.muli %add3A_318, %mul3A_529 : i32
      %add3A_531 = arith.constant 1 : i32
      %add3A_532 = arith.addi %mul3A_530, %add3A_531 : i32
      %mul3A_533 = arith.constant 200 : i32
      %mul3A_534 = arith.muli %add3A_532, %mul3A_533 : i32
      %add3A_535 = arith.addi %mul3A_4, %mul3A_534 : i32
      %add3A_536 = arith.constant 128 : i32
      %add3A_537 = arith.addi %add3A_535, %add3A_536 : i32
      %dma_start3A_538 = arith.constant 128 : i32
      %dma_start3A_539 = tpu.memref_slice %arg5[%add3A_532, %dma_start3A_538] : memref<128x200xi32, #tpu.memory_space<vmem>> -> memref<1x72xi32, #tpu.memory_space<vmem>>
      %dma_start3A_540 = tpu.memref_squeeze %dma_start3A_539 : memref<1x72xi32, #tpu.memory_space<vmem>> -> memref<72xi32, #tpu.memory_space<vmem>>
      %dma_start3A_541 = arith.constant 0 : i32
      %dma_start3A_542 = arith.constant 0 : i32
      %dma_start3A_543 = tpu.memref_slice %arg2[%dma_start3A_541, %dma_start3A_542] : memref<2000000x64xf32, #tpu.memory_space<hbm>> -> memref<2000000x64xf32, #tpu.memory_space<hbm>>
      tpu.enqueue_indirect_dma source(%dma_start3A_543 : memref<2000000x64xf32, #tpu.memory_space<hbm>>) target(%arg9 : memref<72x64xf32, #tpu.memory_space<vmem>>) offsets(%dma_start3A_540 : memref<72xi32, #tpu.memory_space<vmem>>) semaphore(%arg14 : memref<!tpu.dma_semaphore, #tpu.memory_space<semaphore_mem>>)
      %mul3A_544 = arith.constant 2 : i32
      %mul3A_545 = arith.muli %add3A_318, %mul3A_544 : i32
      %add3A_546 = arith.constant 0 : i32
      %add3A_547 = arith.addi %mul3A_545, %add3A_546 : i32
      %mul3A_548 = arith.constant 200 : i32
      %mul3A_549 = arith.muli %add3A_547, %mul3A_548 : i32
      %add3A_550 = arith.addi %mul3A_4, %mul3A_549 : i32
      %add3A_551 = arith.constant 0 : i32
      %add3A_552 = arith.addi %add3A_550, %add3A_551 : i32
      %dma_wait3A_553 = arith.constant 0 : i32
      %dma_wait3A_554 = tpu.memref_slice %arg5[%add3A_547, %dma_wait3A_553] : memref<128x200xi32, #tpu.memory_space<vmem>> -> memref<1x128xi32, #tpu.memory_space<vmem>>
      %dma_wait3A_555 = tpu.memref_squeeze %dma_wait3A_554 : memref<1x128xi32, #tpu.memory_space<vmem>> -> memref<128xi32, #tpu.memory_space<vmem>>
      %dma_wait3A_556 = arith.constant 0 : i32
      %dma_wait3A_557 = arith.constant 0 : i32
      %dma_wait3A_558 = tpu.memref_slice %arg2[%dma_wait3A_556, %dma_wait3A_557] : memref<2000000x64xf32, #tpu.memory_space<hbm>> -> memref<2000000x64xf32, #tpu.memory_space<hbm>>
      tpu.wait_indirect_dma semaphore(%arg14 : memref<!tpu.dma_semaphore, #tpu.memory_space<semaphore_mem>>) src(%dma_wait3A_558 : memref<2000000x64xf32, #tpu.memory_space<hbm>>) dst(%arg6 : memref<128x64xf32, #tpu.memory_space<vmem>>)
      %mul3A_559 = arith.constant 2 : i32
      %mul3A_560 = arith.muli %add3A_318, %mul3A_559 : i32
      %add3A_561 = arith.constant 0 : i32
      %add3A_562 = arith.addi %mul3A_560, %add3A_561 : i32
      %mul3A_563 = arith.constant 200 : i32
      %mul3A_564 = arith.muli %add3A_562, %mul3A_563 : i32
      %add3A_565 = arith.addi %mul3A_4, %mul3A_564 : i32
      %add3A_566 = arith.constant 128 : i32
      %add3A_567 = arith.addi %add3A_565, %add3A_566 : i32
      %dma_wait3A_568 = arith.constant 128 : i32
      %dma_wait3A_569 = tpu.memref_slice %arg5[%add3A_562, %dma_wait3A_568] : memref<128x200xi32, #tpu.memory_space<vmem>> -> memref<1x72xi32, #tpu.memory_space<vmem>>
      %dma_wait3A_570 = tpu.memref_squeeze %dma_wait3A_569 : memref<1x72xi32, #tpu.memory_space<vmem>> -> memref<72xi32, #tpu.memory_space<vmem>>
      %dma_wait3A_571 = arith.constant 0 : i32
      %dma_wait3A_572 = arith.constant 0 : i32
      %dma_wait3A_573 = tpu.memref_slice %arg2[%dma_wait3A_571, %dma_wait3A_572] : memref<2000000x64xf32, #tpu.memory_space<hbm>> -> memref<2000000x64xf32, #tpu.memory_space<hbm>>
      tpu.wait_indirect_dma semaphore(%arg14 : memref<!tpu.dma_semaphore, #tpu.memory_space<semaphore_mem>>) src(%dma_wait3A_573 : memref<2000000x64xf32, #tpu.memory_space<hbm>>) dst(%arg7 : memref<72x64xf32, #tpu.memory_space<vmem>>)
      %mul3A_574 = arith.constant 2 : i32
      %mul3A_575 = arith.muli %add3A_318, %mul3A_574 : i32
      %add3A_576 = arith.constant 1 : i32
      %add3A_577 = arith.addi %mul3A_575, %add3A_576 : i32
      %mul3A_578 = arith.constant 200 : i32
      %mul3A_579 = arith.muli %add3A_577, %mul3A_578 : i32
      %add3A_580 = arith.addi %mul3A_4, %mul3A_579 : i32
      %add3A_581 = arith.constant 0 : i32
      %add3A_582 = arith.addi %add3A_580, %add3A_581 : i32
      %dma_wait3A_583 = arith.constant 0 : i32
      %dma_wait3A_584 = tpu.memref_slice %arg5[%add3A_577, %dma_wait3A_583] : memref<128x200xi32, #tpu.memory_space<vmem>> -> memref<1x128xi32, #tpu.memory_space<vmem>>
      %dma_wait3A_585 = tpu.memref_squeeze %dma_wait3A_584 : memref<1x128xi32, #tpu.memory_space<vmem>> -> memref<128xi32, #tpu.memory_space<vmem>>
      %dma_wait3A_586 = arith.constant 0 : i32
      %dma_wait3A_587 = arith.constant 0 : i32
      %dma_wait3A_588 = tpu.memref_slice %arg2[%dma_wait3A_586, %dma_wait3A_587] : memref<2000000x64xf32, #tpu.memory_space<hbm>> -> memref<2000000x64xf32, #tpu.memory_space<hbm>>
      tpu.wait_indirect_dma semaphore(%arg14 : memref<!tpu.dma_semaphore, #tpu.memory_space<semaphore_mem>>) src(%dma_wait3A_588 : memref<2000000x64xf32, #tpu.memory_space<hbm>>) dst(%arg8 : memref<128x64xf32, #tpu.memory_space<vmem>>)
      %mul3A_589 = arith.constant 2 : i32
      %mul3A_590 = arith.muli %add3A_318, %mul3A_589 : i32
      %add3A_591 = arith.constant 1 : i32
      %add3A_592 = arith.addi %mul3A_590, %add3A_591 : i32
      %mul3A_593 = arith.constant 200 : i32
      %mul3A_594 = arith.muli %add3A_592, %mul3A_593 : i32
      %add3A_595 = arith.addi %mul3A_4, %mul3A_594 : i32
      %add3A_596 = arith.constant 128 : i32
      %add3A_597 = arith.addi %add3A_595, %add3A_596 : i32
      %dma_wait3A_598 = arith.constant 128 : i32
      %dma_wait3A_599 = tpu.memref_slice %arg5[%add3A_592, %dma_wait3A_598] : memref<128x200xi32, #tpu.memory_space<vmem>> -> memref<1x72xi32, #tpu.memory_space<vmem>>
      %dma_wait3A_600 = tpu.memref_squeeze %dma_wait3A_599 : memref<1x72xi32, #tpu.memory_space<vmem>> -> memref<72xi32, #tpu.memory_space<vmem>>
      %dma_wait3A_601 = arith.constant 0 : i32
      %dma_wait3A_602 = arith.constant 0 : i32
      %dma_wait3A_603 = tpu.memref_slice %arg2[%dma_wait3A_601, %dma_wait3A_602] : memref<2000000x64xf32, #tpu.memory_space<hbm>> -> memref<2000000x64xf32, #tpu.memory_space<hbm>>
      tpu.wait_indirect_dma semaphore(%arg14 : memref<!tpu.dma_semaphore, #tpu.memory_space<semaphore_mem>>) src(%dma_wait3A_603 : memref<2000000x64xf32, #tpu.memory_space<hbm>>) dst(%arg9 : memref<72x64xf32, #tpu.memory_space<vmem>>)
      %mul3A_604 = arith.constant 2 : i32
      %mul3A_605 = arith.muli %add3A_318, %mul3A_604 : i32
      %add3A_606 = arith.constant 0 : i32
      %add3A_607 = arith.addi %mul3A_605, %add3A_606 : i32
      %mul3A_608 = arith.constant 200 : i32
      %mul3A_609 = arith.muli %add3A_607, %mul3A_608 : i32
      %add3A_610 = arith.addi %mul3A_4, %mul3A_609 : i32
      %add3A_611 = arith.constant 0 : i32
      %add3A_612 = arith.addi %add3A_610, %add3A_611 : i32
      %dma_start3A_613 = arith.constant 0 : i32
      %dma_start3A_614 = tpu.memref_slice %arg4[%add3A_612, %dma_start3A_613] : memref<819200x128xf32, #tpu.memory_space<hbm>> -> memref<128x64xf32, #tpu.memory_space<hbm>>
      %dma_start3A_615 = arith.constant 0 : i32
      %dma_start3A_616 = tpu.memref_slice %arg4[%add3A_612, %dma_start3A_615] : memref<819200x128xf32, #tpu.memory_space<hbm>> -> memref<128x64xf32, #tpu.memory_space<hbm>>
      tpu.enqueue_dma source(%arg6 : memref<128x64xf32, #tpu.memory_space<vmem>>) target(%dma_start3A_616 : memref<128x64xf32, #tpu.memory_space<hbm>>) target_semaphore(%arg16 : memref<!tpu.dma_semaphore, #tpu.memory_space<semaphore_mem>>)
      %mul3A_617 = arith.constant 2 : i32
      %mul3A_618 = arith.muli %add3A_318, %mul3A_617 : i32
      %add3A_619 = arith.constant 0 : i32
      %add3A_620 = arith.addi %mul3A_618, %add3A_619 : i32
      %mul3A_621 = arith.constant 200 : i32
      %mul3A_622 = arith.muli %add3A_620, %mul3A_621 : i32
      %add3A_623 = arith.addi %mul3A_4, %mul3A_622 : i32
      %add3A_624 = arith.constant 128 : i32
      %add3A_625 = arith.addi %add3A_623, %add3A_624 : i32
      %dma_start3A_626 = arith.constant 0 : i32
      %dma_start3A_627 = tpu.memref_slice %arg4[%add3A_625, %dma_start3A_626] : memref<819200x128xf32, #tpu.memory_space<hbm>> -> memref<72x64xf32, #tpu.memory_space<hbm>>
      %dma_start3A_628 = arith.constant 0 : i32
      %dma_start3A_629 = tpu.memref_slice %arg4[%add3A_625, %dma_start3A_628] : memref<819200x128xf32, #tpu.memory_space<hbm>> -> memref<72x64xf32, #tpu.memory_space<hbm>>
      tpu.enqueue_dma source(%arg7 : memref<72x64xf32, #tpu.memory_space<vmem>>) target(%dma_start3A_629 : memref<72x64xf32, #tpu.memory_space<hbm>>) target_semaphore(%arg16 : memref<!tpu.dma_semaphore, #tpu.memory_space<semaphore_mem>>)
      %mul3A_630 = arith.constant 2 : i32
      %mul3A_631 = arith.muli %add3A_318, %mul3A_630 : i32
      %add3A_632 = arith.constant 1 : i32
      %add3A_633 = arith.addi %mul3A_631, %add3A_632 : i32
      %mul3A_634 = arith.constant 200 : i32
      %mul3A_635 = arith.muli %add3A_633, %mul3A_634 : i32
      %add3A_636 = arith.addi %mul3A_4, %mul3A_635 : i32
      %add3A_637 = arith.constant 0 : i32
      %add3A_638 = arith.addi %add3A_636, %add3A_637 : i32
      %dma_start3A_639 = arith.constant 0 : i32
      %dma_start3A_640 = tpu.memref_slice %arg4[%add3A_638, %dma_start3A_639] : memref<819200x128xf32, #tpu.memory_space<hbm>> -> memref<128x64xf32, #tpu.memory_space<hbm>>
      %dma_start3A_641 = arith.constant 0 : i32
      %dma_start3A_642 = tpu.memref_slice %arg4[%add3A_638, %dma_start3A_641] : memref<819200x128xf32, #tpu.memory_space<hbm>> -> memref<128x64xf32, #tpu.memory_space<hbm>>
      tpu.enqueue_dma source(%arg8 : memref<128x64xf32, #tpu.memory_space<vmem>>) target(%dma_start3A_642 : memref<128x64xf32, #tpu.memory_space<hbm>>) target_semaphore(%arg16 : memref<!tpu.dma_semaphore, #tpu.memory_space<semaphore_mem>>)
      %mul3A_643 = arith.constant 2 : i32
      %mul3A_644 = arith.muli %add3A_318, %mul3A_643 : i32
      %add3A_645 = arith.constant 1 : i32
      %add3A_646 = arith.addi %mul3A_644, %add3A_645 : i32
      %mul3A_647 = arith.constant 200 : i32
      %mul3A_648 = arith.muli %add3A_646, %mul3A_647 : i32
      %add3A_649 = arith.addi %mul3A_4, %mul3A_648 : i32
      %add3A_650 = arith.constant 128 : i32
      %add3A_651 = arith.addi %add3A_649, %add3A_650 : i32
      %dma_start3A_652 = arith.constant 0 : i32
      %dma_start3A_653 = tpu.memref_slice %arg4[%add3A_651, %dma_start3A_652] : memref<819200x128xf32, #tpu.memory_space<hbm>> -> memref<72x64xf32, #tpu.memory_space<hbm>>
      %dma_start3A_654 = arith.constant 0 : i32
      %dma_start3A_655 = tpu.memref_slice %arg4[%add3A_651, %dma_start3A_654] : memref<819200x128xf32, #tpu.memory_space<hbm>> -> memref<72x64xf32, #tpu.memory_space<hbm>>
      tpu.enqueue_dma source(%arg9 : memref<72x64xf32, #tpu.memory_space<vmem>>) target(%dma_start3A_655 : memref<72x64xf32, #tpu.memory_space<hbm>>) target_semaphore(%arg16 : memref<!tpu.dma_semaphore, #tpu.memory_space<semaphore_mem>>)
      %sub3A_656 = arith.constant 1 : i32
      %sub3A_657 = arith.subi %add3A_318, %sub3A_656 : i32
      %mul3A_658 = arith.constant 2 : i32
      %mul3A_659 = arith.muli %sub3A_657, %mul3A_658 : i32
      %add3A_660 = arith.constant 0 : i32
      %add3A_661 = arith.addi %mul3A_659, %add3A_660 : i32
      %mul3A_662 = arith.constant 200 : i32
      %mul3A_663 = arith.muli %add3A_661, %mul3A_662 : i32
      %add3A_664 = arith.addi %mul3A_4, %mul3A_663 : i32
      %add3A_665 = arith.constant 0 : i32
      %add3A_666 = arith.addi %add3A_664, %add3A_665 : i32
      %dma_wait3A_667 = arith.constant 0 : i32
      %dma_wait3A_668 = tpu.memref_slice %arg4[%add3A_666, %dma_wait3A_667] : memref<819200x128xf32, #tpu.memory_space<hbm>> -> memref<128x64xf32, #tpu.memory_space<hbm>>
      %dma_wait3A_669 = arith.constant 0 : i32
      %dma_wait3A_670 = tpu.memref_slice %arg4[%add3A_666, %dma_wait3A_669] : memref<819200x128xf32, #tpu.memory_space<hbm>> -> memref<128x64xf32, #tpu.memory_space<hbm>>
      tpu.wait_dma2 semaphore(%arg17 : memref<!tpu.dma_semaphore, #tpu.memory_space<semaphore_mem>>) src(%arg10 : memref<128x64xf32, #tpu.memory_space<vmem>>) dst(%dma_wait3A_670 : memref<128x64xf32, #tpu.memory_space<hbm>>)
      %mul3A_671 = arith.constant 2 : i32
      %mul3A_672 = arith.muli %sub3A_657, %mul3A_671 : i32
      %add3A_673 = arith.constant 0 : i32
      %add3A_674 = arith.addi %mul3A_672, %add3A_673 : i32
      %mul3A_675 = arith.constant 200 : i32
      %mul3A_676 = arith.muli %add3A_674, %mul3A_675 : i32
      %add3A_677 = arith.addi %mul3A_4, %mul3A_676 : i32
      %add3A_678 = arith.constant 128 : i32
      %add3A_679 = arith.addi %add3A_677, %add3A_678 : i32
      %dma_wait3A_680 = arith.constant 0 : i32
      %dma_wait3A_681 = tpu.memref_slice %arg4[%add3A_679, %dma_wait3A_680] : memref<819200x128xf32, #tpu.memory_space<hbm>> -> memref<72x64xf32, #tpu.memory_space<hbm>>
      %dma_wait3A_682 = arith.constant 0 : i32
      %dma_wait3A_683 = tpu.memref_slice %arg4[%add3A_679, %dma_wait3A_682] : memref<819200x128xf32, #tpu.memory_space<hbm>> -> memref<72x64xf32, #tpu.memory_space<hbm>>
      tpu.wait_dma2 semaphore(%arg17 : memref<!tpu.dma_semaphore, #tpu.memory_space<semaphore_mem>>) src(%arg11 : memref<72x64xf32, #tpu.memory_space<vmem>>) dst(%dma_wait3A_683 : memref<72x64xf32, #tpu.memory_space<hbm>>)
      %mul3A_684 = arith.constant 2 : i32
      %mul3A_685 = arith.muli %sub3A_657, %mul3A_684 : i32
      %add3A_686 = arith.constant 1 : i32
      %add3A_687 = arith.addi %mul3A_685, %add3A_686 : i32
      %mul3A_688 = arith.constant 200 : i32
      %mul3A_689 = arith.muli %add3A_687, %mul3A_688 : i32
      %add3A_690 = arith.addi %mul3A_4, %mul3A_689 : i32
      %add3A_691 = arith.constant 0 : i32
      %add3A_692 = arith.addi %add3A_690, %add3A_691 : i32
      %dma_wait3A_693 = arith.constant 0 : i32
      %dma_wait3A_694 = tpu.memref_slice %arg4[%add3A_692, %dma_wait3A_693] : memref<819200x128xf32, #tpu.memory_space<hbm>> -> memref<128x64xf32, #tpu.memory_space<hbm>>
      %dma_wait3A_695 = arith.constant 0 : i32
      %dma_wait3A_696 = tpu.memref_slice %arg4[%add3A_692, %dma_wait3A_695] : memref<819200x128xf32, #tpu.memory_space<hbm>> -> memref<128x64xf32, #tpu.memory_space<hbm>>
      tpu.wait_dma2 semaphore(%arg17 : memref<!tpu.dma_semaphore, #tpu.memory_space<semaphore_mem>>) src(%arg12 : memref<128x64xf32, #tpu.memory_space<vmem>>) dst(%dma_wait3A_696 : memref<128x64xf32, #tpu.memory_space<hbm>>)
      %mul3A_697 = arith.constant 2 : i32
      %mul3A_698 = arith.muli %sub3A_657, %mul3A_697 : i32
      %add3A_699 = arith.constant 1 : i32
      %add3A_700 = arith.addi %mul3A_698, %add3A_699 : i32
      %mul3A_701 = arith.constant 200 : i32
      %mul3A_702 = arith.muli %add3A_700, %mul3A_701 : i32
      %add3A_703 = arith.addi %mul3A_4, %mul3A_702 : i32
      %add3A_704 = arith.constant 128 : i32
      %add3A_705 = arith.addi %add3A_703, %add3A_704 : i32
      %dma_wait3A_706 = arith.constant 0 : i32
      %dma_wait3A_707 = tpu.memref_slice %arg4[%add3A_705, %dma_wait3A_706] : memref<819200x128xf32, #tpu.memory_space<hbm>> -> memref<72x64xf32, #tpu.memory_space<hbm>>
      %dma_wait3A_708 = arith.constant 0 : i32
      %dma_wait3A_709 = tpu.memref_slice %arg4[%add3A_705, %dma_wait3A_708] : memref<819200x128xf32, #tpu.memory_space<hbm>> -> memref<72x64xf32, #tpu.memory_space<hbm>>
      tpu.wait_dma2 semaphore(%arg17 : memref<!tpu.dma_semaphore, #tpu.memory_space<semaphore_mem>>) src(%arg13 : memref<72x64xf32, #tpu.memory_space<vmem>>) dst(%dma_wait3A_709 : memref<72x64xf32, #tpu.memory_space<hbm>>)
      %add3A_710 = arith.constant 1 : i32
      %add3A_711 = arith.addi %add3A_318, %add3A_710 : i32
      %mul3A_712 = arith.constant 2 : i32
      %mul3A_713 = arith.muli %add3A_711, %mul3A_712 : i32
      %add3A_714 = arith.constant 0 : i32
      %add3A_715 = arith.addi %mul3A_713, %add3A_714 : i32
      %mul3A_716 = arith.constant 200 : i32
      %mul3A_717 = arith.muli %add3A_715, %mul3A_716 : i32
      %add3A_718 = arith.addi %mul3A_4, %mul3A_717 : i32
      %add3A_719 = arith.constant 0 : i32
      %add3A_720 = arith.addi %add3A_718, %add3A_719 : i32
      %dma_start3A_721 = arith.constant 0 : i32
      %dma_start3A_722 = tpu.memref_slice %arg5[%add3A_715, %dma_start3A_721] : memref<128x200xi32, #tpu.memory_space<vmem>> -> memref<1x128xi32, #tpu.memory_space<vmem>>
      %dma_start3A_723 = tpu.memref_squeeze %dma_start3A_722 : memref<1x128xi32, #tpu.memory_space<vmem>> -> memref<128xi32, #tpu.memory_space<vmem>>
      %dma_start3A_724 = arith.constant 0 : i32
      %dma_start3A_725 = arith.constant 0 : i32
      %dma_start3A_726 = tpu.memref_slice %arg2[%dma_start3A_724, %dma_start3A_725] : memref<2000000x64xf32, #tpu.memory_space<hbm>> -> memref<2000000x64xf32, #tpu.memory_space<hbm>>
      tpu.enqueue_indirect_dma source(%dma_start3A_726 : memref<2000000x64xf32, #tpu.memory_space<hbm>>) target(%arg10 : memref<128x64xf32, #tpu.memory_space<vmem>>) offsets(%dma_start3A_723 : memref<128xi32, #tpu.memory_space<vmem>>) semaphore(%arg15 : memref<!tpu.dma_semaphore, #tpu.memory_space<semaphore_mem>>)
      %mul3A_727 = arith.constant 2 : i32
      %mul3A_728 = arith.muli %add3A_711, %mul3A_727 : i32
      %add3A_729 = arith.constant 0 : i32
      %add3A_730 = arith.addi %mul3A_728, %add3A_729 : i32
      %mul3A_731 = arith.constant 200 : i32
      %mul3A_732 = arith.muli %add3A_730, %mul3A_731 : i32
      %add3A_733 = arith.addi %mul3A_4, %mul3A_732 : i32
      %add3A_734 = arith.constant 128 : i32
      %add3A_735 = arith.addi %add3A_733, %add3A_734 : i32
      %dma_start3A_736 = arith.constant 128 : i32
      %dma_start3A_737 = tpu.memref_slice %arg5[%add3A_730, %dma_start3A_736] : memref<128x200xi32, #tpu.memory_space<vmem>> -> memref<1x72xi32, #tpu.memory_space<vmem>>
      %dma_start3A_738 = tpu.memref_squeeze %dma_start3A_737 : memref<1x72xi32, #tpu.memory_space<vmem>> -> memref<72xi32, #tpu.memory_space<vmem>>
      %dma_start3A_739 = arith.constant 0 : i32
      %dma_start3A_740 = arith.constant 0 : i32
      %dma_start3A_741 = tpu.memref_slice %arg2[%dma_start3A_739, %dma_start3A_740] : memref<2000000x64xf32, #tpu.memory_space<hbm>> -> memref<2000000x64xf32, #tpu.memory_space<hbm>>
      tpu.enqueue_indirect_dma source(%dma_start3A_741 : memref<2000000x64xf32, #tpu.memory_space<hbm>>) target(%arg11 : memref<72x64xf32, #tpu.memory_space<vmem>>) offsets(%dma_start3A_738 : memref<72xi32, #tpu.memory_space<vmem>>) semaphore(%arg15 : memref<!tpu.dma_semaphore, #tpu.memory_space<semaphore_mem>>)
      %mul3A_742 = arith.constant 2 : i32
      %mul3A_743 = arith.muli %add3A_711, %mul3A_742 : i32
      %add3A_744 = arith.constant 1 : i32
      %add3A_745 = arith.addi %mul3A_743, %add3A_744 : i32
      %mul3A_746 = arith.constant 200 : i32
      %mul3A_747 = arith.muli %add3A_745, %mul3A_746 : i32
      %add3A_748 = arith.addi %mul3A_4, %mul3A_747 : i32
      %add3A_749 = arith.constant 0 : i32
      %add3A_750 = arith.addi %add3A_748, %add3A_749 : i32
      %dma_start3A_751 = arith.constant 0 : i32
      %dma_start3A_752 = tpu.memref_slice %arg5[%add3A_745, %dma_start3A_751] : memref<128x200xi32, #tpu.memory_space<vmem>> -> memref<1x128xi32, #tpu.memory_space<vmem>>
      %dma_start3A_753 = tpu.memref_squeeze %dma_start3A_752 : memref<1x128xi32, #tpu.memory_space<vmem>> -> memref<128xi32, #tpu.memory_space<vmem>>
      %dma_start3A_754 = arith.constant 0 : i32
      %dma_start3A_755 = arith.constant 0 : i32
      %dma_start3A_756 = tpu.memref_slice %arg2[%dma_start3A_754, %dma_start3A_755] : memref<2000000x64xf32, #tpu.memory_space<hbm>> -> memref<2000000x64xf32, #tpu.memory_space<hbm>>
      tpu.enqueue_indirect_dma source(%dma_start3A_756 : memref<2000000x64xf32, #tpu.memory_space<hbm>>) target(%arg12 : memref<128x64xf32, #tpu.memory_space<vmem>>) offsets(%dma_start3A_753 : memref<128xi32, #tpu.memory_space<vmem>>) semaphore(%arg15 : memref<!tpu.dma_semaphore, #tpu.memory_space<semaphore_mem>>)
      %mul3A_757 = arith.constant 2 : i32
      %mul3A_758 = arith.muli %add3A_711, %mul3A_757 : i32
      %add3A_759 = arith.constant 1 : i32
      %add3A_760 = arith.addi %mul3A_758, %add3A_759 : i32
      %mul3A_761 = arith.constant 200 : i32
      %mul3A_762 = arith.muli %add3A_760, %mul3A_761 : i32
      %add3A_763 = arith.addi %mul3A_4, %mul3A_762 : i32
      %add3A_764 = arith.constant 128 : i32
      %add3A_765 = arith.addi %add3A_763, %add3A_764 : i32
      %dma_start3A_766 = arith.constant 128 : i32
      %dma_start3A_767 = tpu.memref_slice %arg5[%add3A_760, %dma_start3A_766] : memref<128x200xi32, #tpu.memory_space<vmem>> -> memref<1x72xi32, #tpu.memory_space<vmem>>
      %dma_start3A_768 = tpu.memref_squeeze %dma_start3A_767 : memref<1x72xi32, #tpu.memory_space<vmem>> -> memref<72xi32, #tpu.memory_space<vmem>>
      %dma_start3A_769 = arith.constant 0 : i32
      %dma_start3A_770 = arith.constant 0 : i32
      %dma_start3A_771 = tpu.memref_slice %arg2[%dma_start3A_769, %dma_start3A_770] : memref<2000000x64xf32, #tpu.memory_space<hbm>> -> memref<2000000x64xf32, #tpu.memory_space<hbm>>
      tpu.enqueue_indirect_dma source(%dma_start3A_771 : memref<2000000x64xf32, #tpu.memory_space<hbm>>) target(%arg13 : memref<72x64xf32, #tpu.memory_space<vmem>>) offsets(%dma_start3A_768 : memref<72xi32, #tpu.memory_space<vmem>>) semaphore(%arg15 : memref<!tpu.dma_semaphore, #tpu.memory_space<semaphore_mem>>)
    }
    %scan3A_171 = arith.constant 31 : i32
    %add3A_172 = arith.constant 25200 : i32
    %add3A_173 = arith.addi %mul3A_4, %add3A_172 : i32
    %add3A_174 = arith.constant 0 : i32
    %add3A_175 = arith.addi %add3A_173, %add3A_174 : i32
    %dma_wait3A_176 = arith.constant 126 : i32
    %dma_wait3A_177 = arith.constant 0 : i32
    %dma_wait3A_178 = tpu.memref_slice %arg5[%dma_wait3A_176, %dma_wait3A_177] : memref<128x200xi32, #tpu.memory_space<vmem>> -> memref<1x128xi32, #tpu.memory_space<vmem>>
    %dma_wait3A_179 = tpu.memref_squeeze %dma_wait3A_178 : memref<1x128xi32, #tpu.memory_space<vmem>> -> memref<128xi32, #tpu.memory_space<vmem>>
    %dma_wait3A_180 = arith.constant 0 : i32
    %dma_wait3A_181 = arith.constant 0 : i32
    %dma_wait3A_182 = tpu.memref_slice %arg2[%dma_wait3A_180, %dma_wait3A_181] : memref<2000000x64xf32, #tpu.memory_space<hbm>> -> memref<2000000x64xf32, #tpu.memory_space<hbm>>
    tpu.wait_indirect_dma semaphore(%arg15 : memref<!tpu.dma_semaphore, #tpu.memory_space<semaphore_mem>>) src(%dma_wait3A_182 : memref<2000000x64xf32, #tpu.memory_space<hbm>>) dst(%arg10 : memref<128x64xf32, #tpu.memory_space<vmem>>)
    %add3A_183 = arith.constant 25200 : i32
    %add3A_184 = arith.addi %mul3A_4, %add3A_183 : i32
    %add3A_185 = arith.constant 128 : i32
    %add3A_186 = arith.addi %add3A_184, %add3A_185 : i32
    %dma_wait3A_187 = arith.constant 126 : i32
    %dma_wait3A_188 = arith.constant 128 : i32
    %dma_wait3A_189 = tpu.memref_slice %arg5[%dma_wait3A_187, %dma_wait3A_188] : memref<128x200xi32, #tpu.memory_space<vmem>> -> memref<1x72xi32, #tpu.memory_space<vmem>>
    %dma_wait3A_190 = tpu.memref_squeeze %dma_wait3A_189 : memref<1x72xi32, #tpu.memory_space<vmem>> -> memref<72xi32, #tpu.memory_space<vmem>>
    %dma_wait3A_191 = arith.constant 0 : i32
    %dma_wait3A_192 = arith.constant 0 : i32
    %dma_wait3A_193 = tpu.memref_slice %arg2[%dma_wait3A_191, %dma_wait3A_192] : memref<2000000x64xf32, #tpu.memory_space<hbm>> -> memref<2000000x64xf32, #tpu.memory_space<hbm>>
    tpu.wait_indirect_dma semaphore(%arg15 : memref<!tpu.dma_semaphore, #tpu.memory_space<semaphore_mem>>) src(%dma_wait3A_193 : memref<2000000x64xf32, #tpu.memory_space<hbm>>) dst(%arg11 : memref<72x64xf32, #tpu.memory_space<vmem>>)
    %add3A_194 = arith.constant 25400 : i32
    %add3A_195 = arith.addi %mul3A_4, %add3A_194 : i32
    %add3A_196 = arith.constant 0 : i32
    %add3A_197 = arith.addi %add3A_195, %add3A_196 : i32
    %dma_wait3A_198 = arith.constant 127 : i32
    %dma_wait3A_199 = arith.constant 0 : i32
    %dma_wait3A_200 = tpu.memref_slice %arg5[%dma_wait3A_198, %dma_wait3A_199] : memref<128x200xi32, #tpu.memory_space<vmem>> -> memref<1x128xi32, #tpu.memory_space<vmem>>
    %dma_wait3A_201 = tpu.memref_squeeze %dma_wait3A_200 : memref<1x128xi32, #tpu.memory_space<vmem>> -> memref<128xi32, #tpu.memory_space<vmem>>
    %dma_wait3A_202 = arith.constant 0 : i32
    %dma_wait3A_203 = arith.constant 0 : i32
    %dma_wait3A_204 = tpu.memref_slice %arg2[%dma_wait3A_202, %dma_wait3A_203] : memref<2000000x64xf32, #tpu.memory_space<hbm>> -> memref<2000000x64xf32, #tpu.memory_space<hbm>>
    tpu.wait_indirect_dma semaphore(%arg15 : memref<!tpu.dma_semaphore, #tpu.memory_space<semaphore_mem>>) src(%dma_wait3A_204 : memref<2000000x64xf32, #tpu.memory_space<hbm>>) dst(%arg12 : memref<128x64xf32, #tpu.memory_space<vmem>>)
    %add3A_205 = arith.constant 25400 : i32
    %add3A_206 = arith.addi %mul3A_4, %add3A_205 : i32
    %add3A_207 = arith.constant 128 : i32
    %add3A_208 = arith.addi %add3A_206, %add3A_207 : i32
    %dma_wait3A_209 = arith.constant 127 : i32
    %dma_wait3A_210 = arith.constant 128 : i32
    %dma_wait3A_211 = tpu.memref_slice %arg5[%dma_wait3A_209, %dma_wait3A_210] : memref<128x200xi32, #tpu.memory_space<vmem>> -> memref<1x72xi32, #tpu.memory_space<vmem>>
    %dma_wait3A_212 = tpu.memref_squeeze %dma_wait3A_211 : memref<1x72xi32, #tpu.memory_space<vmem>> -> memref<72xi32, #tpu.memory_space<vmem>>
    %dma_wait3A_213 = arith.constant 0 : i32
    %dma_wait3A_214 = arith.constant 0 : i32
    %dma_wait3A_215 = tpu.memref_slice %arg2[%dma_wait3A_213, %dma_wait3A_214] : memref<2000000x64xf32, #tpu.memory_space<hbm>> -> memref<2000000x64xf32, #tpu.memory_space<hbm>>
    tpu.wait_indirect_dma semaphore(%arg15 : memref<!tpu.dma_semaphore, #tpu.memory_space<semaphore_mem>>) src(%dma_wait3A_215 : memref<2000000x64xf32, #tpu.memory_space<hbm>>) dst(%arg13 : memref<72x64xf32, #tpu.memory_space<vmem>>)
    %add3A_216 = arith.constant 25200 : i32
    %add3A_217 = arith.addi %mul3A_4, %add3A_216 : i32
    %add3A_218 = arith.constant 0 : i32
    %add3A_219 = arith.addi %add3A_217, %add3A_218 : i32
    %dma_start3A_220 = arith.constant 0 : i32
    %dma_start3A_221 = tpu.memref_slice %arg4[%add3A_219, %dma_start3A_220] : memref<819200x128xf32, #tpu.memory_space<hbm>> -> memref<128x64xf32, #tpu.memory_space<hbm>>
    %dma_start3A_222 = arith.constant 0 : i32
    %dma_start3A_223 = tpu.memref_slice %arg4[%add3A_219, %dma_start3A_222] : memref<819200x128xf32, #tpu.memory_space<hbm>> -> memref<128x64xf32, #tpu.memory_space<hbm>>
    tpu.enqueue_dma source(%arg10 : memref<128x64xf32, #tpu.memory_space<vmem>>) target(%dma_start3A_223 : memref<128x64xf32, #tpu.memory_space<hbm>>) target_semaphore(%arg17 : memref<!tpu.dma_semaphore, #tpu.memory_space<semaphore_mem>>)
    %add3A_224 = arith.constant 25200 : i32
    %add3A_225 = arith.addi %mul3A_4, %add3A_224 : i32
    %add3A_226 = arith.constant 128 : i32
    %add3A_227 = arith.addi %add3A_225, %add3A_226 : i32
    %dma_start3A_228 = arith.constant 0 : i32
    %dma_start3A_229 = tpu.memref_slice %arg4[%add3A_227, %dma_start3A_228] : memref<819200x128xf32, #tpu.memory_space<hbm>> -> memref<72x64xf32, #tpu.memory_space<hbm>>
    %dma_start3A_230 = arith.constant 0 : i32
    %dma_start3A_231 = tpu.memref_slice %arg4[%add3A_227, %dma_start3A_230] : memref<819200x128xf32, #tpu.memory_space<hbm>> -> memref<72x64xf32, #tpu.memory_space<hbm>>
    tpu.enqueue_dma source(%arg11 : memref<72x64xf32, #tpu.memory_space<vmem>>) target(%dma_start3A_231 : memref<72x64xf32, #tpu.memory_space<hbm>>) target_semaphore(%arg17 : memref<!tpu.dma_semaphore, #tpu.memory_space<semaphore_mem>>)
    %add3A_232 = arith.constant 25400 : i32
    %add3A_233 = arith.addi %mul3A_4, %add3A_232 : i32
    %add3A_234 = arith.constant 0 : i32
    %add3A_235 = arith.addi %add3A_233, %add3A_234 : i32
    %dma_start3A_236 = arith.constant 0 : i32
    %dma_start3A_237 = tpu.memref_slice %arg4[%add3A_235, %dma_start3A_236] : memref<819200x128xf32, #tpu.memory_space<hbm>> -> memref<128x64xf32, #tpu.memory_space<hbm>>
    %dma_start3A_238 = arith.constant 0 : i32
    %dma_start3A_239 = tpu.memref_slice %arg4[%add3A_235, %dma_start3A_238] : memref<819200x128xf32, #tpu.memory_space<hbm>> -> memref<128x64xf32, #tpu.memory_space<hbm>>
    tpu.enqueue_dma source(%arg12 : memref<128x64xf32, #tpu.memory_space<vmem>>) target(%dma_start3A_239 : memref<128x64xf32, #tpu.memory_space<hbm>>) target_semaphore(%arg17 : memref<!tpu.dma_semaphore, #tpu.memory_space<semaphore_mem>>)
    %add3A_240 = arith.constant 25400 : i32
    %add3A_241 = arith.addi %mul3A_4, %add3A_240 : i32
    %add3A_242 = arith.constant 128 : i32
    %add3A_243 = arith.addi %add3A_241, %add3A_242 : i32
    %dma_start3A_244 = arith.constant 0 : i32
    %dma_start3A_245 = tpu.memref_slice %arg4[%add3A_243, %dma_start3A_244] : memref<819200x128xf32, #tpu.memory_space<hbm>> -> memref<72x64xf32, #tpu.memory_space<hbm>>
    %dma_start3A_246 = arith.constant 0 : i32
    %dma_start3A_247 = tpu.memref_slice %arg4[%add3A_243, %dma_start3A_246] : memref<819200x128xf32, #tpu.memory_space<hbm>> -> memref<72x64xf32, #tpu.memory_space<hbm>>
    tpu.enqueue_dma source(%arg13 : memref<72x64xf32, #tpu.memory_space<vmem>>) target(%dma_start3A_247 : memref<72x64xf32, #tpu.memory_space<hbm>>) target_semaphore(%arg17 : memref<!tpu.dma_semaphore, #tpu.memory_space<semaphore_mem>>)
    %add3A_248 = arith.constant 24800 : i32
    %add3A_249 = arith.addi %mul3A_4, %add3A_248 : i32
    %add3A_250 = arith.constant 0 : i32
    %add3A_251 = arith.addi %add3A_249, %add3A_250 : i32
    %dma_wait3A_252 = arith.constant 0 : i32
    %dma_wait3A_253 = tpu.memref_slice %arg4[%add3A_251, %dma_wait3A_252] : memref<819200x128xf32, #tpu.memory_space<hbm>> -> memref<128x64xf32, #tpu.memory_space<hbm>>
    %dma_wait3A_254 = arith.constant 0 : i32
    %dma_wait3A_255 = tpu.memref_slice %arg4[%add3A_251, %dma_wait3A_254] : memref<819200x128xf32, #tpu.memory_space<hbm>> -> memref<128x64xf32, #tpu.memory_space<hbm>>
    tpu.wait_dma2 semaphore(%arg16 : memref<!tpu.dma_semaphore, #tpu.memory_space<semaphore_mem>>) src(%arg6 : memref<128x64xf32, #tpu.memory_space<vmem>>) dst(%dma_wait3A_255 : memref<128x64xf32, #tpu.memory_space<hbm>>)
    %add3A_256 = arith.constant 24800 : i32
    %add3A_257 = arith.addi %mul3A_4, %add3A_256 : i32
    %add3A_258 = arith.constant 128 : i32
    %add3A_259 = arith.addi %add3A_257, %add3A_258 : i32
    %dma_wait3A_260 = arith.constant 0 : i32
    %dma_wait3A_261 = tpu.memref_slice %arg4[%add3A_259, %dma_wait3A_260] : memref<819200x128xf32, #tpu.memory_space<hbm>> -> memref<72x64xf32, #tpu.memory_space<hbm>>
    %dma_wait3A_262 = arith.constant 0 : i32
    %dma_wait3A_263 = tpu.memref_slice %arg4[%add3A_259, %dma_wait3A_262] : memref<819200x128xf32, #tpu.memory_space<hbm>> -> memref<72x64xf32, #tpu.memory_space<hbm>>
    tpu.wait_dma2 semaphore(%arg16 : memref<!tpu.dma_semaphore, #tpu.memory_space<semaphore_mem>>) src(%arg7 : memref<72x64xf32, #tpu.memory_space<vmem>>) dst(%dma_wait3A_263 : memref<72x64xf32, #tpu.memory_space<hbm>>)
    %add3A_264 = arith.constant 25000 : i32
    %add3A_265 = arith.addi %mul3A_4, %add3A_264 : i32
    %add3A_266 = arith.constant 0 : i32
    %add3A_267 = arith.addi %add3A_265, %add3A_266 : i32
    %dma_wait3A_268 = arith.constant 0 : i32
    %dma_wait3A_269 = tpu.memref_slice %arg4[%add3A_267, %dma_wait3A_268] : memref<819200x128xf32, #tpu.memory_space<hbm>> -> memref<128x64xf32, #tpu.memory_space<hbm>>
    %dma_wait3A_270 = arith.constant 0 : i32
    %dma_wait3A_271 = tpu.memref_slice %arg4[%add3A_267, %dma_wait3A_270] : memref<819200x128xf32, #tpu.memory_space<hbm>> -> memref<128x64xf32, #tpu.memory_space<hbm>>
    tpu.wait_dma2 semaphore(%arg16 : memref<!tpu.dma_semaphore, #tpu.memory_space<semaphore_mem>>) src(%arg8 : memref<128x64xf32, #tpu.memory_space<vmem>>) dst(%dma_wait3A_271 : memref<128x64xf32, #tpu.memory_space<hbm>>)
    %add3A_272 = arith.constant 25000 : i32
    %add3A_273 = arith.addi %mul3A_4, %add3A_272 : i32
    %add3A_274 = arith.constant 128 : i32
    %add3A_275 = arith.addi %add3A_273, %add3A_274 : i32
    %dma_wait3A_276 = arith.constant 0 : i32
    %dma_wait3A_277 = tpu.memref_slice %arg4[%add3A_275, %dma_wait3A_276] : memref<819200x128xf32, #tpu.memory_space<hbm>> -> memref<72x64xf32, #tpu.memory_space<hbm>>
    %dma_wait3A_278 = arith.constant 0 : i32
    %dma_wait3A_279 = tpu.memref_slice %arg4[%add3A_275, %dma_wait3A_278] : memref<819200x128xf32, #tpu.memory_space<hbm>> -> memref<72x64xf32, #tpu.memory_space<hbm>>
    tpu.wait_dma2 semaphore(%arg16 : memref<!tpu.dma_semaphore, #tpu.memory_space<semaphore_mem>>) src(%arg9 : memref<72x64xf32, #tpu.memory_space<vmem>>) dst(%dma_wait3A_279 : memref<72x64xf32, #tpu.memory_space<hbm>>)
    %add3A_280 = arith.constant 25200 : i32
    %add3A_281 = arith.addi %mul3A_4, %add3A_280 : i32
    %add3A_282 = arith.constant 0 : i32
    %add3A_283 = arith.addi %add3A_281, %add3A_282 : i32
    %dma_wait3A_284 = arith.constant 0 : i32
    %dma_wait3A_285 = tpu.memref_slice %arg4[%add3A_283, %dma_wait3A_284] : memref<819200x128xf32, #tpu.memory_space<hbm>> -> memref<128x64xf32, #tpu.memory_space<hbm>>
    %dma_wait3A_286 = arith.constant 0 : i32
    %dma_wait3A_287 = tpu.memref_slice %arg4[%add3A_283, %dma_wait3A_286] : memref<819200x128xf32, #tpu.memory_space<hbm>> -> memref<128x64xf32, #tpu.memory_space<hbm>>
    tpu.wait_dma2 semaphore(%arg17 : memref<!tpu.dma_semaphore, #tpu.memory_space<semaphore_mem>>) src(%arg10 : memref<128x64xf32, #tpu.memory_space<vmem>>) dst(%dma_wait3A_287 : memref<128x64xf32, #tpu.memory_space<hbm>>)
    %add3A_288 = arith.constant 25200 : i32
    %add3A_289 = arith.addi %mul3A_4, %add3A_288 : i32
    %add3A_290 = arith.constant 128 : i32
    %add3A_291 = arith.addi %add3A_289, %add3A_290 : i32
    %dma_wait3A_292 = arith.constant 0 : i32
    %dma_wait3A_293 = tpu.memref_slice %arg4[%add3A_291, %dma_wait3A_292] : memref<819200x128xf32, #tpu.memory_space<hbm>> -> memref<72x64xf32, #tpu.memory_space<hbm>>
    %dma_wait3A_294 = arith.constant 0 : i32
    %dma_wait3A_295 = tpu.memref_slice %arg4[%add3A_291, %dma_wait3A_294] : memref<819200x128xf32, #tpu.memory_space<hbm>> -> memref<72x64xf32, #tpu.memory_space<hbm>>
    tpu.wait_dma2 semaphore(%arg17 : memref<!tpu.dma_semaphore, #tpu.memory_space<semaphore_mem>>) src(%arg11 : memref<72x64xf32, #tpu.memory_space<vmem>>) dst(%dma_wait3A_295 : memref<72x64xf32, #tpu.memory_space<hbm>>)
    %add3A_296 = arith.constant 25400 : i32
    %add3A_297 = arith.addi %mul3A_4, %add3A_296 : i32
    %add3A_298 = arith.constant 0 : i32
    %add3A_299 = arith.addi %add3A_297, %add3A_298 : i32
    %dma_wait3A_300 = arith.constant 0 : i32
    %dma_wait3A_301 = tpu.memref_slice %arg4[%add3A_299, %dma_wait3A_300] : memref<819200x128xf32, #tpu.memory_space<hbm>> -> memref<128x64xf32, #tpu.memory_space<hbm>>
    %dma_wait3A_302 = arith.constant 0 : i32
    %dma_wait3A_303 = tpu.memref_slice %arg4[%add3A_299, %dma_wait3A_302] : memref<819200x128xf32, #tpu.memory_space<hbm>> -> memref<128x64xf32, #tpu.memory_space<hbm>>
    tpu.wait_dma2 semaphore(%arg17 : memref<!tpu.dma_semaphore, #tpu.memory_space<semaphore_mem>>) src(%arg12 : memref<128x64xf32, #tpu.memory_space<vmem>>) dst(%dma_wait3A_303 : memref<128x64xf32, #tpu.memory_space<hbm>>)
    %add3A_304 = arith.constant 25400 : i32
    %add3A_305 = arith.addi %mul3A_4, %add3A_304 : i32
    %add3A_306 = arith.constant 128 : i32
    %add3A_307 = arith.addi %add3A_305, %add3A_306 : i32
    %dma_wait3A_308 = arith.constant 0 : i32
    %dma_wait3A_309 = tpu.memref_slice %arg4[%add3A_307, %dma_wait3A_308] : memref<819200x128xf32, #tpu.memory_space<hbm>> -> memref<72x64xf32, #tpu.memory_space<hbm>>
    %dma_wait3A_310 = arith.constant 0 : i32
    %dma_wait3A_311 = tpu.memref_slice %arg4[%add3A_307, %dma_wait3A_310] : memref<819200x128xf32, #tpu.memory_space<hbm>> -> memref<72x64xf32, #tpu.memory_space<hbm>>
    tpu.wait_dma2 semaphore(%arg17 : memref<!tpu.dma_semaphore, #tpu.memory_space<semaphore_mem>>) src(%arg13 : memref<72x64xf32, #tpu.memory_space<vmem>>) dst(%dma_wait3A_311 : memref<72x64xf32, #tpu.memory_space<hbm>>)
    return
  }
}

</mosaic_0001>

<sc_bundles>
// kernel: kernel.3.cloned.1.call-start
scs
__scs_entry_jumppad:
0x0: {  	(pc) =	sbr.rel $0x88, $3  }
0x1: {  	(tag) =	ssettag $0x0;
	lr =	simm.s32 $0x1  }
0x2: {  	[smem:$0x3F9F] =	sst lr;
	_ =	strace $0xD0000000  }
0x3: {  	_ = 	snop  }
0x4: {  	_ = 	snop  }
0x5: {  	_ = 	snop  }
0x6: {  	_ = 	snop  }
0x7: {  	_ = 	snop  }
__scs_overlays_trampoline_lowered:
0x8: {  	[smem:$0x3FAE] =	sst s0  }
0x9: {  	[smem:$0x3FAF] =	sst s1  }
0xa: {  	[smem:$0x3FB0] =	sst s2  }
0xb: {  	[smem:$0x3FB1] =	sst s3  }
0xc: {  	[smem:$0x3FB2] =	sst s4  }
0xd: {  	[smem:$0x3FB3] =	sst s5  }
0xe: {  	[smem:$0x3FB4] =	sst s6  }
0xf: {  	[smem:$0x3FB5] =	sst s7  }
0x10: {  	[smem:$0x3FB6] =	sst s8  }
0x11: {  	[smem:$0x3FB7] =	sst s9;
	s0 =	simm.s32 @!p0 $0x0  }
0x12: {  	s1 =	sld [smem:$0x3F9D];
	s0 =	simm.s32 @p0 $0x1  }
0x13: {  	[smem:$0x3FB8] =	sst s0;
	s0 =	simm.s32 @!p1 $0x0  }
0x14: {  	s2 =	sld [smem:$0x3F9C];
	s0 =	simm.s32 @p1 $0x1  }
0x15: {  	[smem:$0x3FB9] =	sst s0;
	s0 =	simm.s32 @!p2 $0x0  }
0x16: {  	s3 =	sld [smem:$0x3FDB];
	s0 =	simm.s32 @p2 $0x1  }
0x17: {  	s4 =	simm.s32 $0x1BF5;
	[smem:$0x3FBB] =	sst s0  }
0x18: {  	s0 =	sld [smem:$0x3F9E];
	_ =	swait.ge [sflag:s4], $0x0  }
0x19: {  	s7 =	sld [smem:$0x3F9F]  }
0x1a: {  	s8 =	sadd.s32 $0xFFFFE003, lr  }
0x1b: {  	s9 =	sadd.s32 $0xFFFFFEF7, lr;
	s5 =	simm.s32 $0xFFFFFFFF;
	p2 =	slt.u32 s8, $0xFFFFF086  }
0x1c: {  	p1 =	slt.u32 s9, $0xF7A;
	s5 =	simm.s32 @!p2 $0x0  }
0x1d: {  	s5 =	simm.s32 @p1 $0x1;
	p0 =	seq.s32 s7, s2  }
0x1e: {  	s7 =	smul.u32 @!p0 $0xF7A, s2;
	p2 =	seq.s32 @!p0 s5, $0x0  }
0x1f: {  	s9 =	smul.u32 $0xF7A, s1;
	s8 =	simm.s32 @!p0 $0x1BF5;
	p2 =	por !p2, p0  }
0x20: {  	[sflag:s8] =	ssyncset.s32 @!p0 $0xFFFFF086;
	s6 =	sadd.s32 @!p0 s3, s7;
	s7 =	simm.s32 @!p0 $0x108  }
0x21: {  	s3 =	sadd.s32 s3, s9;
	s6 =	sadd.s32 @!p0 $0x88, s6;
	s7 =	simm.s32 @p2 $0x1082  }
0x22: {  	[simem:s7], [sflag:s8] =	dma.local @!p0 [hbm:s6], $0xF7A  }
0x23: {  	s9 =	sor.u32 $0xD0000000, s2;
	s6 =	simm.s32 $0x108;
	_ =	swait.ge @!p0 [sflag:s8], $0x0  }
0x24: {  	s3 =	sadd.s32 $0x88, s3;
	s6 =	simm.s32 @!p1 $0x1082;
	[sflag:s4] =	ssyncset.s32 $0xFFFFF086  }
0x25: {  	[simem:s6], [sflag:s4] =	dma.local [hbm:s3], $0xF7A  }
0x26: {  	[smem:$0x3F9F] =	sst s1;
	(tag) =	ssettag s2;
	_ =	strace s9  }
0x27: {  	s1 =	sld [smem:$0x3FAF]  }
0x28: {  	s2 =	sld [smem:$0x3FB0]  }
0x29: {  	s4 =	sld [smem:$0x3FB2]  }
0x2a: {  	p0 =	seq.s32 s5, $0x0;
	s5 =	sld [smem:$0x3FB3]  }
0x2b: {  	s6 =	sld [smem:$0x3FB4]  }
0x2c: {  	s7 =	sld [smem:$0x3FB5]  }
0x2d: {  	s3 =	simm.s32 $0x108;
	s8 =	sld [smem:$0x3FB6]  }
0x2e: {  	s3 =	simm.s32 @!p0 $0x1082;
	s9 =	sld [smem:$0x3FB7]  }
0x2f: {  	lr =	sadd.s32 s0, s3;
	s0 =	sld [smem:$0x3FAE]  }
0x30: {  	s3 =	sld [smem:$0x3FB1]  }
0x31: {  	[smem:$0x3FBA] =	sst s10  }
0x32: {  	s10 =	sld [smem:$0x3FB8];
	_ =	sdelay $0x3  }
0x33: {  	p0 =	seq.s32 s10, $0x1;
	s10 =	sld [smem:$0x3FBA];
	_ =	sdelay $0x3  }
0x34: {  	[smem:$0x3FBA] =	sst s10  }
0x35: {  	s10 =	sld [smem:$0x3FB9];
	_ =	sdelay $0x3  }
0x36: {  	p1 =	seq.s32 s10, $0x1;
	s10 =	sld [smem:$0x3FBA];
	_ =	sdelay $0x3  }
0x37: {  	[smem:$0x3FBA] =	sst s10  }
0x38: {  	s10 =	sld [smem:$0x3FBB]  }
0x39: {  	_ = 	snop;
	(pc) =	sbr.ind lr, $3  }
0x3a: {  	_ = 	snop  }
0x3b: {  	_ = 	snop  }
0x3c: {  	p2 =	seq.s32 s10, $0x1;
	s10 =	sld [smem:$0x3FBA]  }
0x3d: {  	_ =	shalt  }
0x3e: {  	_ =	shalt  }
0x3f: {  	_ =	shalt  }
0x40: {  	_ =	shalt  }
0x41: {  	_ =	shalt  }
0x42: {  	_ =	shalt  }
0x43: {  	_ =	shalt  }
0x44: {  	_ =	shalt  }
0x45: {  	_ =	shalt  }
0x46: {  	_ =	shalt  }
0x47: {  	_ =	shalt  }
0x48: {  	_ =	shalt  }
0x49: {  	_ =	shalt  }
0x4a: {  	_ =	shalt  }
0x4b: {  	_ =	shalt  }
0x4c: {  	_ =	shalt  }
0x4d: {  	_ =	shalt  }
0x4e: {  	_ =	shalt  }
0x4f: {  	_ =	shalt  }
0x50: {  	_ =	shalt  }
0x51: {  	_ =	shalt  }
0x52: {  	_ =	shalt  }
0x53: {  	_ =	shalt  }
0x54: {  	_ =	shalt  }
0x55: {  	_ =	shalt  }
0x56: {  	_ =	shalt  }
0x57: {  	_ =	shalt  }
0x58: {  	_ =	shalt  }
0x59: {  	_ =	shalt  }
0x5a: {  	_ =	shalt  }
0x5b: {  	_ =	shalt  }
0x5c: {  	_ =	shalt  }
0x5d: {  	_ =	shalt  }
0x5e: {  	_ =	shalt  }
0x5f: {  	_ =	shalt  }
0x60: {  	_ =	shalt  }
0x61: {  	_ =	shalt  }
0x62: {  	_ =	shalt  }
0x63: {  	_ =	shalt  }
0x64: {  	_ =	shalt  }
0x65: {  	_ =	shalt  }
0x66: {  	_ =	shalt  }
0x67: {  	_ =	shalt  }
0x68: {  	_ =	shalt  }
0x69: {  	_ =	shalt  }
0x6a: {  	_ =	shalt  }
0x6b: {  	_ =	shalt  }
0x6c: {  	_ =	shalt  }
0x6d: {  	_ =	shalt  }
0x6e: {  	_ =	shalt  }
0x6f: {  	_ =	shalt  }
0x70: {  	_ =	shalt  }
0x71: {  	_ =	shalt  }
0x72: {  	_ =	shalt  }
0x73: {  	_ =	shalt  }
0x74: {  	_ =	shalt  }
0x75: {  	_ =	shalt  }
0x76: {  	_ =	shalt  }
0x77: {  	_ =	shalt  }
0x78: {  	_ =	shalt  }
0x79: {  	_ =	shalt  }
0x7a: {  	_ =	shalt  }
0x7b: {  	_ =	shalt  }
0x7c: {  	_ =	shalt  }
0x7d: {  	_ =	shalt  }
0x7e: {  	_ =	shalt  }
0x7f: {  	_ =	shalt  }
0x80: {  	_ =	shalt  }
0x81: {  	_ =	shalt  }
0x82: {  	_ =	shalt  }
0x83: {  	_ =	shalt  }
0x84: {  	_ =	shalt  }
0x85: {  	_ =	shalt  }
0x86: {  	_ =	shalt  }
0x87: {  	_ =	shalt  }
.Lfunc_end0:
.L_simem_size_0:
called_computation.2_lowered:
.L_overlay_start_0:
0x88: {  	s2 =	sld [smem:$0x3FD9]  }
0x89: {  	s3 =	sld [smem:$0x3FFE];
	_ =	sdelay $0x1  }
0x8a: {  	s1 =	srdreg.scid  }
0x8b: {  	s0 =	sand.u32 $0x1, s1  }
0x8c: {  	s17 =	sshll.u32 s0, $0xA;
	s2 =	sadd.s32 s3, s2  }
0x8d: {  	s2 =	sadd.s32 s2, s17  }
0x8e: {  	[smem:$0x3FC6] =	sst s2  }
0x8f: {  	_ = 	snop  }
0x90: {  	s2 =	sld [smem:$0x3FD0];
	(tm) =	ssettm $0x1  }
0x91: {  	s18 =	sld [smem:$0x3FFB];
	_ =	sdelay $0x3  }
0x92: {  	_ =	strace s18  }
0x93: {  	s3 =	sld [smem:$0x3FFC];
	_ =	sdelay $0x3  }
0x94: {  	_ =	strace s3  }
0x95: {  	s3 =	sld [smem:$0x3FFD];
	_ =	sdelay $0x3  }
0x96: {  	_ =	strace s3  }
0x97: {  	_ =	strace $0x8FFFFFFF  }
0x98: {  	s19 =	sld [smem:$0x3FDB];
	_ =	sdelay $0x1  }
0x99: {  	s4 =	simm.s32 $_scs_section_size  }
0x9a: {  	s5 =	simm.s32 $_size__tile_overlayer_lowered;
	s6 =	simm.s32 $_tile_overlayer_lowered  }
0x9b: {  	s22 =	simm.s32 $0x1BFF;
	s21 =	sshll.u32 s6, $0x1;
	s3 =	sadd.s32 s4, s19  }
0x9c: {  	s7 =	simm.s32 $0x0;
	s20 =	sshll.u32 s5, $0x1;
	s5 =	sadd.s32 s21, s3  }
0x9d: {  	[timem:s7], [sflag:s22] =	dma.local [hbm:s5], s20  }
0x9e: {  	_ =	swait.ge [sflag:s22], s20  }
0x9f: {  	s4 =	ssub.s32 $0x0, s20;
	[sflag:s22] =	ssyncset.done $0x0  }
0xa0: {  	[sflag:s22] =	ssyncadd.s32 s4;
	_ =	sdelay $0x1  }
0xa1: {  	s23 =	simm.s32 $0x1B8B  }
0xa2: {  	_ =	swait.ge [sflag:s23], $0x1  }
0xa3: {  	[sflag:s23] =	ssyncset.done $0x0  }
0xa4: {  	s25 =	simm.s32 $0x1B8E;
	s24 =	sld [smem:$0x3FFE];
	[sflag:s23] =	ssyncadd.s32 $0xFFFFFFFF  }
0xa5: {  	s26 =	simm.s32 $execute0_lowered;
	[smem:$0x3FD2] =	sst s25  }
0xa6: {  	s5 =	sshll.u32 s26, $0x1;
	_ =	strace $0x80000049;
	[dreg:$0x1] =	wrdreg $0xFFFFFFFF  }
0xa7: {  	s28 =	simm.s32 $_size_execute0_lowered;
	s3 =	sadd.s32 s3, s5;
	[dreg:$0x0] =	wrdreg $0x0  }
0xa8: {  	s5 =	sshll.u32 s28, $0x1;
	[dreg:$0x2] =	wrdreg s3  }
0xa9: {  	[dreg:$0x3] =	wrdreg s5  }
0xaa: {  	[dreg:$0x4] =	wrdreg $0xC0  }
0xab: {  	_ =	task [dreg:s7], $0x5FFFF  }
0xac: {  	[dreg:$0x1] =	wrdreg $0xFFFFFFFF  }
0xad: {  	[dreg:$0x0] =	wrdreg $0x60  }
0xae: {  	[dreg:$0x2] =	wrdreg s24  }
0xaf: {  	[dreg:$0x3] =	wrdreg s2  }
0xb0: {  	[dreg:$0x4] =	wrdreg $0x9  }
0xb1: {  	_ =	task.clear_ibuf [dreg:s7], $0x5FFFF;
	_ =	strace $0x90000049  }
0xb2: {  	s29 =	simm.s32 $0x9;
	_ =	strace $0x8000004B  }
0xb3: {  	_ =	swait.ge [sflag:s29], $0x1  }
0xb4: {  	[sflag:s29] =	ssyncadd.s32 $0xFFFFFFFF  }
0xb5: {  	_ =	strace $0x9000004B  }
0xb6: {  	_ =	sfence  }
0xb7: {  	s30 =	sld [smem:$0x0];
	_ =	sdelay $0x2  }
0xb8: {  	s31 =	sshll.u32 s1, $0xD;
	s1 =	sshrl.u32 s1, $0x2  }
0xb9: {  	s3 =	sand.u32 $0x4000, s31;
	s1 =	sadd.s32 s1, s30  }
0xba: {  	s0 =	sor.u32 s3, s0;
	s1 =	sshll.u32 s1, $0x11  }
0xbb: {  	s0 =	sor.u32 s1, s0  }
0xbc: {  	s0 =	sadd.s32 $0x8F2B, s0  }
0xbd: {  	[sflag:s0] =	ssyncadd.remote.s32 $0x1  }
0xbe: {  	_ =	sfence.sel $0xFFFF  }
0xbf: {  	[dreg:$0x0] =	wrdreg $0xFFFFFFFF;
	(pc) =	sbr.abs _section_cstart, $3  }
0xc0: {  	[dreg:$0x1] =	wrdreg $0xFFFFFFFF  }
0xc1: {  	_ =	task.clear_ibuf [dreg:s7], $0x2FFFF;
	_ =	strace $0x9FFFFFFF  }
0xc2: {  	(tm) =	ssettm $0x7FFFFFFF  }
0xc3: {  	_ =	shalt  }
tec
execute0_lowered:
.L_overlay_start_1:
0x0: {  	(tag) =	ssettag $0x1  }
0x1: {  	s0 =	rddreg [dreg:$0x0];
	s1 =	srdreg.scid  }
0x2: {  	s8 =	stileid.u32;
	s4 =	rddreg [dreg:$0x1]  }
0x3: {  	s3 =	simm.s32 $0x0;
	s15 =	simm.s32 $0x5;
	s11 =	smul.u32 $0xC8000, s8  }
0x4: {  	s28 =	simm.s32 $0xC800;
	s1 =	sand.u32 $0x1, s1;
	s17 =	smul.u32 $0xC800, s8  }
0x5: {  	s30 =	simm.s32 $0xE800;
	s2 =	sshll.u32 s8, $0x1;
	s19 =	smul.u32 $0x6400, s1  }
0x6: {  	s2 =	sor.u32 s1, s2;
	s7 =	ssub.s32 $0x2, s1;
	s1 =	smul.u32 $0x64000, s1  }
0x7: {  	s29 =	simm.s32 $0x4;
	s31 =	simm.s32 $0x0;
	s6 =	smul.u32 $0xC80, s2  }
0x8: {  	[smem:$0x7FF] =	sst s3;
	s3 =	sadd.s32 $0xF43200, s0;
	s5 =	smul.u32 $0x64000, s2  }
0x9: {  	_ =	strace $0x8000004A;
	s9 =	smul.u32 $0x320000, s2;
	s16 =	sshrl.u32 s7, $0x1  }
0xa: {  	s2 =	sadd.s32 $0xE00, s0;
	s0 =	ssub.s32 s7, s16;
	s1 =	sadd.s32 s1, s11  }
0xb: {  	s16 =	simm.s32 $0x80;
	s5 =	sadd.s32 s2, s5;
	s4 =	sadd.s32 s4, s6  }
0xc: {  	s21 =	sshrl.u32 s9, $0x3;
	[dreg:$0x3] =	wrdreg s1;
	s14 =	smax.u32 s0, $0x1  }
0xd: {  	s1 =	simm.s32 $0xFA00;
	[dreg:$0x8] =	wrdreg s4;
	s18 =	sadd.s32 $0x800, s5  }
0xe: {  	s20 =	sadd.s32 $0xC80, s5;
	s22 =	sadd.s32 $0x1480, s5;
	s6 =	sadd.s32 s2, s21  }
0xf: {  	s4 =	sadd.s32 s19, s17;
	s17 =	simm.s32 $0x6400;
	[dreg:$0x9] =	wrdreg s18  }
0x10: {  	s19 =	simm.s32 $0x8400;
	s21 =	simm.s32 $0x9600;
	[dreg:$0xa] =	wrdreg s20  }
0x11: {  	[dreg:$0xb] =	wrdreg s22;
	s10 =	sadd.s32 $0x62700, s6;
	s4 =	sshll.u32 s4, $0x4  }
0x12: {  	s11 =	sadd.s32 $0x62F00, s6;
	s12 =	sadd.s32 $0x63380, s6;
	s23 =	sor.u32 $0x3200, s4  }
0x13: {  	s13 =	sadd.s32 $0x63B80, s6;
	s24 =	sor.u32 $0x3E80, s4;
	[dreg:$0x4] =	wrdreg s23  }
0x14: {  	s18 =	simm.s32 $0x48;
	s25 =	sor.u32 $0x2580, s4;
	[dreg:$0x5] =	wrdreg s24  }
0x15: {  	s20 =	simm.s32 $0x11A00;
	s26 =	sor.u32 $0x1900, s4;
	[dreg:$0x6] =	wrdreg s25  }
0x16: {  	s22 =	simm.s32 $0x2;
	[dreg:$0x7] =	wrdreg s26;
	s23 =	simm.s32 $0xB600  }
0x17: {  	s24 =	simm.s32 $0x1;
	s25 =	simm.s32 $0x40;
	s26 =	simm.s32 $0x3  }
.LBB2_1:
0x18: {  	s0 =	simm.s32 $0x0;
	s4 =	rddreg [dreg:$0x8]  }
0x19: {  	[tilespmem:s0], [sflag:$0x5] =	stream.linear.gather [hbm4b:s4+s0], $0x6400, $0x38;
	[tilespmem:$0x12C00] =	vst v63  }
0x1a: {  	_ =	swait.ge [sflag:s15], $0x6400  }
0x1b: {  	[sflag:s15] =	ssyncset.done $0x0  }
0x1c: {  	[sflag:s15] =	ssyncadd.s32 $0xFFFF9C00  }
0x1d: {  	[tilespmem:s17], [sflag:$0x1] =	stream.indirect.gather [hbm4b:s3+s16], $0x40, s0, s16, $0xb8;
	[tilespmem:$0x12C00] =	vst v63  }
0x1e: {  	_ = 	snop  }
0x1f: {  	[tilespmem:s19], [sflag:$0x1] =	stream.indirect.gather [hbm4b:s3+s18], $0x40, s16, s18, $0xb8;
	[tilespmem:$0x12C00] =	vst v63  }
0x20: {  	s7 =	simm.s32 $0xC8  }
0x21: {  	[tilespmem:s21], [sflag:$0x1] =	stream.indirect.gather [hbm4b:s3+s16], $0x40, s7, s16, $0xb8;
	[tilespmem:$0x12C00] =	vst v63  }
0x22: {  	s8 =	simm.s32 $0x148  }
0x23: {  	[tilespmem:s23], [sflag:$0x1] =	stream.indirect.gather [hbm4b:s3+s18], $0x40, s8, s18, $0xb8;
	[tilespmem:$0x12C00] =	vst v63  }
0x24: {  	_ =	swait.ge [sflag:s24], $0x2000  }
0x25: {  	[sflag:s24] =	ssyncset.done $0x0  }
0x26: {  	[sflag:s24] =	ssyncadd.s32 $0xFFFFE000  }
0x27: {  	_ =	swait.ge [sflag:s24], $0x1200  }
0x28: {  	[sflag:s24] =	ssyncset.done $0x0  }
0x29: {  	[sflag:s24] =	ssyncadd.s32 $0xFFFFEE00  }
0x2a: {  	_ =	swait.ge [sflag:s24], $0x2000  }
0x2b: {  	[sflag:s24] =	ssyncset.done $0x0  }
0x2c: {  	[sflag:s24] =	ssyncadd.s32 $0xFFFFE000  }
0x2d: {  	_ =	swait.ge [sflag:s24], $0x1200  }
0x2e: {  	[sflag:s24] =	ssyncset.done $0x0  }
0x2f: {  	[sflag:s24] =	ssyncadd.s32 $0xFFFFEE00  }
0x30: {  	[hbm4b:s5+s25] =	stream.strided.scatter [tilespmem:s17], [sflag:$0x3], $0x2000, s16, s25, $0x38;
	[tilespmem:$0x12C00] =	vst v63  }
0x31: {  	s9 =	rddreg [dreg:$0x9]  }
0x32: {  	[hbm4b:s9+s25] =	stream.strided.scatter [tilespmem:s19], [sflag:$0x3], $0x1200, s16, s25, $0x38;
	[tilespmem:$0x12C00] =	vst v63  }
0x33: {  	s4 =	rddreg [dreg:$0xa]  }
0x34: {  	[hbm4b:s4+s25] =	stream.strided.scatter [tilespmem:s21], [sflag:$0x3], $0x2000, s16, s25, $0x38;
	[tilespmem:$0x12C00] =	vst v63  }
0x35: {  	s6 =	rddreg [dreg:$0xb]  }
0x36: {  	[hbm4b:s6+s25] =	stream.strided.scatter [tilespmem:s23], [sflag:$0x3], $0x1200, s16, s25, $0x38;
	[tilespmem:$0x12C00] =	vst v63  }
0x37: {  	s7 =	simm.s32 $0x190  }
0x38: {  	[tilespmem:s28], [sflag:$0x2] =	stream.indirect.gather [hbm4b:s3+s16], $0x40, s7, s16, $0xb8;
	[tilespmem:$0x12C00] =	vst v63  }
0x39: {  	s8 =	simm.s32 $0x210  }
0x3a: {  	[tilespmem:s30], [sflag:$0x2] =	stream.indirect.gather [hbm4b:s3+s18], $0x40, s8, s18, $0xb8;
	[tilespmem:$0x12C00] =	vst v63  }
0x3b: {  	s9 =	simm.s32 $0x258  }
0x3c: {  	[tilespmem:s1], [sflag:$0x2] =	stream.indirect.gather [hbm4b:s3+s16], $0x40, s9, s16, $0xb8;
	[tilespmem:$0x12C00] =	vst v63  }
0x3d: {  	s4 =	simm.s32 $0x2D8  }
0x3e: {  	[tilespmem:s20], [sflag:$0x2] =	stream.indirect.gather [hbm4b:s3+s18], $0x40, s4, s18, $0xb8;
	[tilespmem:$0x12C00] =	vst v63  }
0x3f: {  	_ =	swait.ge [sflag:s22], $0x2000  }
0x40: {  	[sflag:s22] =	ssyncset.done $0x0  }
0x41: {  	[sflag:s22] =	ssyncadd.s32 $0xFFFFE000  }
0x42: {  	_ =	swait.ge [sflag:s22], $0x1200  }
0x43: {  	[sflag:s22] =	ssyncset.done $0x0  }
0x44: {  	[sflag:s22] =	ssyncadd.s32 $0xFFFFEE00  }
0x45: {  	_ =	swait.ge [sflag:s22], $0x2000  }
0x46: {  	[sflag:s22] =	ssyncset.done $0x0  }
0x47: {  	[sflag:s22] =	ssyncadd.s32 $0xFFFFE000  }
0x48: {  	_ =	swait.ge [sflag:s22], $0x1200  }
0x49: {  	s6 =	rddreg [dreg:$0x7]  }
0x4a: {  	s7 =	rddreg [dreg:$0x3];
	[sflag:s22] =	ssyncset.done $0x0  }
0x4b: {  	[sflag:s22] =	ssyncadd.s32 $0xFFFFEE00;
	s0 =	sadd.s32 s2, s6;
	s4 =	sadd.s32 s2, s7  }
0x4c: {  	[hbm4b:s0+s25] =	stream.strided.scatter [tilespmem:s28], [sflag:$0x4], $0x2000, s16, s25, $0x38;
	[tilespmem:$0x12C00] =	vst v63  }
0x4d: {  	s8 =	rddreg [dreg:$0x6];
	s6 =	sadd.s32 $0x2100, s4  }
0x4e: {  	[hbm4b:s6+s25] =	stream.strided.scatter [tilespmem:s30], [sflag:$0x4], $0x1200, s16, s25, $0x38;
	[tilespmem:$0x12C00] =	vst v63  }
0x4f: {  	s0 =	sadd.s32 s2, s8  }
0x50: {  	[hbm4b:s0+s25] =	stream.strided.scatter [tilespmem:s1], [sflag:$0x4], $0x2000, s16, s25, $0x38;
	[tilespmem:$0x12C00] =	vst v63  }
0x51: {  	s9 =	sadd.s32 $0x2D80, s4  }
0x52: {  	[hbm4b:s9+s25] =	stream.strided.scatter [tilespmem:s20], [sflag:$0x4], $0x1200, s16, s25, $0x38;
	[tilespmem:$0x12C00] =	vst v63  }
0x53: {  	_ =	swait.ge [sflag:s26], $0x2000  }
0x54: {  	[sflag:s26] =	ssyncset.done $0x0  }
0x55: {  	[sflag:s26] =	ssyncadd.s32 $0xFFFFE000  }
0x56: {  	_ =	swait.ge [sflag:s26], $0x1200  }
0x57: {  	[sflag:s26] =	ssyncset.done $0x0  }
0x58: {  	[sflag:s26] =	ssyncadd.s32 $0xFFFFEE00  }
0x59: {  	_ =	swait.ge [sflag:s26], $0x2000  }
0x5a: {  	[sflag:s26] =	ssyncset.done $0x0  }
0x5b: {  	[sflag:s26] =	ssyncadd.s32 $0xFFFFE000  }
0x5c: {  	_ =	swait.ge [sflag:s26], $0x1200  }
0x5d: {  	[sflag:s26] =	ssyncset.done $0x0  }
0x5e: {  	s6 =	simm.s32 $0x320;
	[sflag:s26] =	ssyncadd.s32 $0xFFFFEE00  }
0x5f: {  	[tilespmem:s17], [sflag:$0x1] =	stream.indirect.gather [hbm4b:s3+s16], $0x40, s6, s16, $0xb8;
	[tilespmem:$0x12C00] =	vst v63  }
0x60: {  	s7 =	simm.s32 $0x3A0  }
0x61: {  	[tilespmem:s19], [sflag:$0x1] =	stream.indirect.gather [hbm4b:s3+s18], $0x40, s7, s18, $0xb8;
	[tilespmem:$0x12C00] =	vst v63  }
0x62: {  	s8 =	simm.s32 $0x3E8  }
0x63: {  	[tilespmem:s21], [sflag:$0x1] =	stream.indirect.gather [hbm4b:s3+s16], $0x40, s8, s16, $0xb8;
	[tilespmem:$0x12C00] =	vst v63  }
0x64: {  	s9 =	simm.s32 $0x468  }
0x65: {  	[tilespmem:s23], [sflag:$0x1] =	stream.indirect.gather [hbm4b:s3+s18], $0x40, s9, s18, $0xb8;
	[tilespmem:$0x12C00] =	vst v63  }
0x66: {  	_ =	swait.ge [sflag:s24], $0x2000  }
0x67: {  	[sflag:s24] =	ssyncset.done $0x0  }
0x68: {  	[sflag:s24] =	ssyncadd.s32 $0xFFFFE000  }
0x69: {  	_ =	swait.ge [sflag:s24], $0x1200  }
0x6a: {  	[sflag:s24] =	ssyncset.done $0x0  }
0x6b: {  	[sflag:s24] =	ssyncadd.s32 $0xFFFFEE00  }
0x6c: {  	_ =	swait.ge [sflag:s24], $0x2000  }
0x6d: {  	[sflag:s24] =	ssyncset.done $0x0  }
0x6e: {  	[sflag:s24] =	ssyncadd.s32 $0xFFFFE000  }
0x6f: {  	_ =	swait.ge [sflag:s24], $0x1200  }
0x70: {  	s6 =	rddreg [dreg:$0x4];
	[sflag:s24] =	ssyncset.done $0x0  }
0x71: {  	[sflag:s24] =	ssyncadd.s32 $0xFFFFEE00;
	s0 =	sadd.s32 s2, s6  }
0x72: {  	[hbm4b:s0+s25] =	stream.strided.scatter [tilespmem:s17], [sflag:$0x3], $0x2000, s16, s25, $0x38;
	[tilespmem:$0x12C00] =	vst v63  }
0x73: {  	s8 =	sadd.s32 $0x3A00, s4;
	s7 =	rddreg [dreg:$0x5]  }
0x74: {  	[hbm4b:s8+s25] =	stream.strided.scatter [tilespmem:s19], [sflag:$0x3], $0x1200, s16, s25, $0x38;
	[tilespmem:$0x12C00] =	vst v63  }
0x75: {  	s9 =	sadd.s32 s2, s7  }
0x76: {  	[hbm4b:s9+s25] =	stream.strided.scatter [tilespmem:s21], [sflag:$0x3], $0x2000, s16, s25, $0x38;
	[tilespmem:$0x12C00] =	vst v63  }
0x77: {  	s6 =	sadd.s32 $0x4680, s4  }
0x78: {  	[hbm4b:s6+s25] =	stream.strided.scatter [tilespmem:s23], [sflag:$0x3], $0x1200, s16, s25, $0x38;
	[tilespmem:$0x12C00] =	vst v63  }
0x79: {  	_ =	swait.ge [sflag:s29], $0x2000  }
0x7a: {  	[sflag:s29] =	ssyncset.done $0x0  }
0x7b: {  	[sflag:s29] =	ssyncadd.s32 $0xFFFFE000  }
0x7c: {  	_ =	swait.ge [sflag:s29], $0x1200  }
0x7d: {  	[sflag:s29] =	ssyncset.done $0x0  }
0x7e: {  	[sflag:s29] =	ssyncadd.s32 $0xFFFFEE00  }
0x7f: {  	_ =	swait.ge [sflag:s29], $0x2000  }
0x80: {  	[sflag:s29] =	ssyncset.done $0x0  }
0x81: {  	[sflag:s29] =	ssyncadd.s32 $0xFFFFE000  }
0x82: {  	_ =	swait.ge [sflag:s29], $0x1200  }
0x83: {  	[sflag:s29] =	ssyncset.done $0x0  }
0x84: {  	s7 =	simm.s32 $0x4B0;
	[sflag:s29] =	ssyncadd.s32 $0xFFFFEE00  }
0x85: {  	[tilespmem:s28], [sflag:$0x2] =	stream.indirect.gather [hbm4b:s3+s16], $0x40, s7, s16, $0xb8;
	[tilespmem:$0x12C00] =	vst v63  }
0x86: {  	s4 =	smov.u32 s2;
	s8 =	simm.s32 $0x530  }
0x87: {  	[tilespmem:s30], [sflag:$0x2] =	stream.indirect.gather [hbm4b:s3+s18], $0x40, s8, s18, $0xb8;
	[tilespmem:$0x12C00] =	vst v63  }
0x88: {  	s0 =	simm.s32 $0xC80;
	s9 =	simm.s32 $0x578;
	s7 =	simm.s32 $0x5F8  }
0x89: {  	[tilespmem:s1], [sflag:$0x2] =	stream.indirect.gather [hbm4b:s3+s16], $0x40, s9, s16, $0xb8;
	[tilespmem:$0x12C00] =	vst v63  }
.LBB2_2:
0x8a: {  	[tilespmem:s20], [sflag:$0x2] =	stream.indirect.gather [hbm4b:s3+s18], $0x40, s7, s18, $0xb8;
	[tilespmem:$0x12C00] =	vst v63  }
0x8b: {  	_ =	swait.ge [sflag:s22], $0x2000  }
0x8c: {  	[sflag:s22] =	ssyncset.done $0x0  }
0x8d: {  	[sflag:s22] =	ssyncadd.s32 $0xFFFFE000  }
0x8e: {  	_ =	swait.ge [sflag:s22], $0x1200  }
0x8f: {  	[sflag:s22] =	ssyncset.done $0x0  }
0x90: {  	[sflag:s22] =	ssyncadd.s32 $0xFFFFEE00  }
0x91: {  	_ =	swait.ge [sflag:s22], $0x2000  }
0x92: {  	[sflag:s22] =	ssyncset.done $0x0  }
0x93: {  	[sflag:s22] =	ssyncadd.s32 $0xFFFFE000  }
0x94: {  	_ =	swait.ge [sflag:s22], $0x1200  }
0x95: {  	s4 =	sadd.s32 $0x3200, s4;
	s9 =	rddreg [dreg:$0x7];
	[sflag:s22] =	ssyncset.done $0x0  }
0x96: {  	s8 =	rddreg [dreg:$0x3];
	[sflag:s22] =	ssyncadd.s32 $0xFFFFEE00;
	s7 =	sadd.s32 s4, s9  }
0x97: {  	[hbm4b:s7+s25] =	stream.strided.scatter [tilespmem:s28], [sflag:$0x4], $0x2000, s16, s25, $0x38;
	[tilespmem:$0x12C00] =	vst v63  }
0x98: {  	s7 =	sadd.s32 s4, s8  }
0x99: {  	s9 =	rddreg [dreg:$0x6];
	s8 =	sadd.s32 $0x2100, s7  }
0x9a: {  	[hbm4b:s8+s25] =	stream.strided.scatter [tilespmem:s30], [sflag:$0x4], $0x1200, s16, s25, $0x38;
	[tilespmem:$0x12C00] =	vst v63  }
0x9b: {  	s9 =	sadd.s32 s4, s9  }
0x9c: {  	[hbm4b:s9+s25] =	stream.strided.scatter [tilespmem:s1], [sflag:$0x4], $0x2000, s16, s25, $0x38;
	[tilespmem:$0x12C00] =	vst v63  }
0x9d: {  	s8 =	sadd.s32 $0x2D80, s7  }
0x9e: {  	[hbm4b:s8+s25] =	stream.strided.scatter [tilespmem:s20], [sflag:$0x4], $0x1200, s16, s25, $0x38;
	[tilespmem:$0x12C00] =	vst v63  }
0x9f: {  	_ =	swait.ge [sflag:s26], $0x2000  }
0xa0: {  	[sflag:s26] =	ssyncset.done $0x0  }
0xa1: {  	[sflag:s26] =	ssyncadd.s32 $0xFFFFE000  }
0xa2: {  	_ =	swait.ge [sflag:s26], $0x1200  }
0xa3: {  	[sflag:s26] =	ssyncset.done $0x0  }
0xa4: {  	[sflag:s26] =	ssyncadd.s32 $0xFFFFEE00  }
0xa5: {  	_ =	swait.ge [sflag:s26], $0x2000  }
0xa6: {  	[sflag:s26] =	ssyncset.done $0x0  }
0xa7: {  	[sflag:s26] =	ssyncadd.s32 $0xFFFFE000  }
0xa8: {  	s6 =	smov.u32 s0;
	_ =	swait.ge [sflag:s26], $0x1200  }
0xa9: {  	s6 =	sshra.s32 s6, $0x2;
	[sflag:s26] =	ssyncset.done $0x0  }
0xaa: {  	s8 =	sadd.s32 $0x320, s6;
	[sflag:s26] =	ssyncadd.s32 $0xFFFFEE00  }
0xab: {  	[tilespmem:s17], [sflag:$0x1] =	stream.indirect.gather [hbm4b:s3+s16], $0x40, s8, s16, $0xb8;
	[tilespmem:$0x12C00] =	vst v63  }
0xac: {  	s9 =	sadd.s32 $0x3A0, s6  }
0xad: {  	[tilespmem:s19], [sflag:$0x1] =	stream.indirect.gather [hbm4b:s3+s18], $0x40, s9, s18, $0xb8;
	[tilespmem:$0x12C00] =	vst v63  }
0xae: {  	s8 =	sadd.s32 $0x3E8, s6  }
0xaf: {  	[tilespmem:s21], [sflag:$0x1] =	stream.indirect.gather [hbm4b:s3+s16], $0x40, s8, s16, $0xb8;
	[tilespmem:$0x12C00] =	vst v63  }
0xb0: {  	s9 =	sadd.s32 $0x468, s6  }
0xb1: {  	[tilespmem:s23], [sflag:$0x1] =	stream.indirect.gather [hbm4b:s3+s18], $0x40, s9, s18, $0xb8;
	[tilespmem:$0x12C00] =	vst v63  }
0xb2: {  	_ =	swait.ge [sflag:s24], $0x2000  }
0xb3: {  	[sflag:s24] =	ssyncset.done $0x0  }
0xb4: {  	[sflag:s24] =	ssyncadd.s32 $0xFFFFE000  }
0xb5: {  	_ =	swait.ge [sflag:s24], $0x1200  }
0xb6: {  	[sflag:s24] =	ssyncset.done $0x0  }
0xb7: {  	[sflag:s24] =	ssyncadd.s32 $0xFFFFEE00  }
0xb8: {  	_ =	swait.ge [sflag:s24], $0x2000  }
0xb9: {  	[sflag:s24] =	ssyncset.done $0x0  }
0xba: {  	[sflag:s24] =	ssyncadd.s32 $0xFFFFE000  }
0xbb: {  	_ =	swait.ge [sflag:s24], $0x1200  }
0xbc: {  	s9 =	rddreg [dreg:$0x4];
	[sflag:s24] =	ssyncset.done $0x0  }
0xbd: {  	[sflag:s24] =	ssyncadd.s32 $0xFFFFEE00;
	s8 =	sadd.s32 s4, s9  }
0xbe: {  	[hbm4b:s8+s25] =	stream.strided.scatter [tilespmem:s17], [sflag:$0x3], $0x2000, s16, s25, $0x38;
	[tilespmem:$0x12C00] =	vst v63  }
0xbf: {  	s9 =	rddreg [dreg:$0x5];
	s8 =	sadd.s32 $0x3A00, s7  }
0xc0: {  	[hbm4b:s8+s25] =	stream.strided.scatter [tilespmem:s19], [sflag:$0x3], $0x1200, s16, s25, $0x38;
	[tilespmem:$0x12C00] =	vst v63  }
0xc1: {  	s9 =	sadd.s32 s4, s9  }
0xc2: {  	[hbm4b:s9+s25] =	stream.strided.scatter [tilespmem:s21], [sflag:$0x3], $0x2000, s16, s25, $0x38;
	[tilespmem:$0x12C00] =	vst v63  }
0xc3: {  	s7 =	sadd.s32 $0x4680, s7  }
0xc4: {  	[hbm4b:s7+s25] =	stream.strided.scatter [tilespmem:s23], [sflag:$0x3], $0x1200, s16, s25, $0x38;
	[tilespmem:$0x12C00] =	vst v63  }
0xc5: {  	_ =	swait.ge [sflag:s29], $0x2000  }
0xc6: {  	[sflag:s29] =	ssyncset.done $0x0  }
0xc7: {  	[sflag:s29] =	ssyncadd.s32 $0xFFFFE000  }
0xc8: {  	_ =	swait.ge [sflag:s29], $0x1200  }
0xc9: {  	[sflag:s29] =	ssyncset.done $0x0  }
0xca: {  	[sflag:s29] =	ssyncadd.s32 $0xFFFFEE00  }
0xcb: {  	_ =	swait.ge [sflag:s29], $0x2000  }
0xcc: {  	[sflag:s29] =	ssyncset.done $0x0  }
0xcd: {  	[sflag:s29] =	ssyncadd.s32 $0xFFFFE000  }
0xce: {  	_ =	swait.ge [sflag:s29], $0x1200  }
0xcf: {  	[sflag:s29] =	ssyncset.done $0x0  }
0xd0: {  	p0 =	sne.s32 s0, $0x17700;
	s9 =	sadd.s32 $0x4B0, s6;
	[sflag:s29] =	ssyncadd.s32 $0xFFFFEE00  }
0xd1: {  	[tilespmem:s28], [sflag:$0x2] =	stream.indirect.gather [hbm4b:s3+s16], $0x40, s9, s16, $0xb8;
	[tilespmem:$0x12C00] =	vst v63  }
.Ltmp0:
0xd2: {  	_ = 	snop;
	(pc) =	sbr.rel @p0 .LBB2_2-.Ltmp0, $4  }
0xd3: {  	s8 =	sadd.s32 $0x530, s6  }
0xd4: {  	[tilespmem:s30], [sflag:$0x2] =	stream.indirect.gather [hbm4b:s3+s18], $0x40, s8, s18, $0xb8;
	[tilespmem:$0x12C00] =	vst v63  }
0xd5: {  	s0 =	sadd.s32 $0xC80, s0;
	s7 =	sadd.s32 $0x5F8, s6;
	s9 =	sadd.s32 $0x578, s6  }
0xd6: {  	[tilespmem:s1], [sflag:$0x2] =	stream.indirect.gather [hbm4b:s3+s16], $0x40, s9, s16, $0xb8;
	[tilespmem:$0x12C00] =	vst v63  }
0xd7: {  	[tilespmem:s20], [sflag:$0x2] =	stream.indirect.gather [hbm4b:s3+s18], $0x40, s7, s18, $0xb8;
	[tilespmem:$0x12C00] =	vst v63  }
0xd8: {  	_ =	swait.ge [sflag:s22], $0x2000  }
0xd9: {  	[sflag:s22] =	ssyncset.done $0x0  }
0xda: {  	[sflag:s22] =	ssyncadd.s32 $0xFFFFE000  }
0xdb: {  	_ =	swait.ge [sflag:s22], $0x1200  }
0xdc: {  	[sflag:s22] =	ssyncset.done $0x0  }
0xdd: {  	[sflag:s22] =	ssyncadd.s32 $0xFFFFEE00  }
0xde: {  	_ =	swait.ge [sflag:s22], $0x2000  }
0xdf: {  	[sflag:s22] =	ssyncset.done $0x0  }
0xe0: {  	[sflag:s22] =	ssyncadd.s32 $0xFFFFE000  }
0xe1: {  	_ =	swait.ge [sflag:s22], $0x1200  }
0xe2: {  	[sflag:s22] =	ssyncset.done $0x0  }
0xe3: {  	[sflag:s22] =	ssyncadd.s32 $0xFFFFEE00  }
0xe4: {  	[hbm4b:s10+s25] =	stream.strided.scatter [tilespmem:s28], [sflag:$0x4], $0x2000, s16, s25, $0x38;
	[tilespmem:$0x12C00] =	vst v63  }
0xe5: {  	_ = 	snop  }
0xe6: {  	[hbm4b:s11+s25] =	stream.strided.scatter [tilespmem:s30], [sflag:$0x4], $0x1200, s16, s25, $0x38;
	[tilespmem:$0x12C00] =	vst v63  }
0xe7: {  	_ = 	snop  }
0xe8: {  	[hbm4b:s12+s25] =	stream.strided.scatter [tilespmem:s1], [sflag:$0x4], $0x2000, s16, s25, $0x38;
	[tilespmem:$0x12C00] =	vst v63  }
0xe9: {  	_ = 	snop  }
0xea: {  	[hbm4b:s13+s25] =	stream.strided.scatter [tilespmem:s20], [sflag:$0x4], $0x1200, s16, s25, $0x38;
	[tilespmem:$0x12C00] =	vst v63  }
0xeb: {  	_ =	swait.ge [sflag:s26], $0x2000  }
0xec: {  	[sflag:s26] =	ssyncset.done $0x0  }
0xed: {  	[sflag:s26] =	ssyncadd.s32 $0xFFFFE000  }
0xee: {  	_ =	swait.ge [sflag:s26], $0x1200  }
0xef: {  	[sflag:s26] =	ssyncset.done $0x0  }
0xf0: {  	[sflag:s26] =	ssyncadd.s32 $0xFFFFEE00  }
0xf1: {  	_ =	swait.ge [sflag:s26], $0x2000  }
0xf2: {  	[sflag:s26] =	ssyncset.done $0x0  }
0xf3: {  	[sflag:s26] =	ssyncadd.s32 $0xFFFFE000  }
0xf4: {  	_ =	swait.ge [sflag:s26], $0x1200  }
0xf5: {  	[sflag:s26] =	ssyncset.done $0x0  }
0xf6: {  	[sflag:s26] =	ssyncadd.s32 $0xFFFFEE00  }
0xf7: {  	_ =	swait.ge [sflag:s29], $0x2000  }
0xf8: {  	[sflag:s29] =	ssyncset.done $0x0  }
0xf9: {  	[sflag:s29] =	ssyncadd.s32 $0xFFFFE000  }
0xfa: {  	_ =	swait.ge [sflag:s29], $0x1200  }
0xfb: {  	[sflag:s29] =	ssyncset.done $0x0  }
0xfc: {  	s31 =	sadd.s32 $0x1, s31;
	[sflag:s29] =	ssyncadd.s32 $0xFFFFEE00  }
0xfd: {  	p0 =	sne.s32 s31, s14;
	_ =	swait.ge [sflag:s29], $0x2000  }
.Ltmp1:
0xfe: {  	[sflag:s29] =	ssyncset.done $0x0;
	(pc) =	sbr.rel @p0 .LBB2_1-.Ltmp1, $4  }
0xff: {  	[sflag:s29] =	ssyncadd.s32 $0xFFFFE000  }
0x100: {  	_ =	swait.ge [sflag:s29], $0x1200  }
0x101: {  	[sflag:s29] =	ssyncset.done $0x0  }
0x102: {  	[sflag:s29] =	ssyncadd.s32 $0xFFFFEE00  }
0x103: {  	_ =	sfence.sel $0x180000  }
0x104: {  	[bflag:$0x0] =	sbarrier.arrive $0xFFFF  }
0x105: {  	_ =	strace $0x9000004A  }
0x106: {  	s0 =	stileid.u32;
	[bflag:$0x2] =	sbarrier.arrive $0xFFFF  }
0x107: {  	p0 =	sne.s32 s0, $0x0;
	s0 =	rddreg [dreg:$0x2]  }
0x108: {  	s0 =	sadd.s32 @!p0 $0x100000, s0  }
0x109: {  	[sflag:s0] =	ssyncadd.tile.s32 @!p0 $0x1;
	_ =	shalt  }
.Lfunc_end2:
_tile_overlayer_lowered:
.L_overlay_start_2:
0x10a: {  	(tag) =	ssettag $0x2  }
0x10b: {  	s0 =	rddreg [dreg:$0x0];
	s2 =	stileid.u32  }
0x10c: {  	s1 =	rddreg [dreg:$0x1];
	p0 =	sne.s32 s2, $0x0  }
0x10d: {  	s3 =	rddreg [dreg:$0x2];
	[bflag:$0x3] =	sbarrier.arrive $0xFFFF;
	s2 =	simm.s32 @!p0 $0x1C05  }
0x10e: {  	[timem:s3], [sflag:s2] =	dma.local @!p0 [hbm:s0], s1  }
0x10f: {  	s0 =	simm.s32 @!p0 $0x5  }
0x110: {  	_ =	swait.ge @!p0 [sflag:s0], s1  }
0x111: {  	s1 =	ssub.s32 @!p0 $0x0, s1;
	[sflag:s0] =	ssyncset.done @!p0 $0x0  }
0x112: {  	[sflag:s0] =	ssyncadd.s32 @!p0 s1  }
0x113: {  	[bflag:$0x3] =	sbarrier.arrive $0xFFFF  }
0x114: {  	_ =	shalt  }

// kernel: sparse-core-data-format-call.1.cloned.1.call-start
scs
called_computation.1_lowered:
.L_overlay_start_0:
0x0: {  	s2 =	sld [smem:$0x3FD9]  }
0x1: {  	s3 =	sld [smem:$0x3FFE];
	_ =	sdelay $0x1  }
0x2: {  	s1 =	srdreg.scid  }
0x3: {  	s0 =	sand.u32 $0x1, s1  }
0x4: {  	s18 =	sshll.u32 s0, $0xA;
	s2 =	sadd.s32 s3, s2  }
0x5: {  	s2 =	sadd.s32 s2, s18  }
0x6: {  	[smem:$0x3FC6] =	sst s2  }
0x7: {  	_ = 	snop  }
0x8: {  	s2 =	sld [smem:$0x3FC8];
	(tm) =	ssettm $0x1  }
0x9: {  	s19 =	sld [smem:$0x3FFB];
	_ =	sdelay $0x3  }
0xa: {  	_ =	strace s19  }
0xb: {  	s3 =	sld [smem:$0x3FFC];
	_ =	sdelay $0x3  }
0xc: {  	_ =	strace s3  }
0xd: {  	s3 =	sld [smem:$0x3FFD];
	_ =	sdelay $0x3  }
0xe: {  	_ =	strace s3  }
0xf: {  	_ =	strace $0x8FFFFFFF  }
0x10: {  	s20 =	sld [smem:$0x3FDB];
	_ =	sdelay $0x1  }
0x11: {  	s4 =	simm.s32 $_scs_section_size  }
0x12: {  	s5 =	simm.s32 $_size__tile_overlayer_lowered;
	s6 =	simm.s32 $_tile_overlayer_lowered  }
0x13: {  	s23 =	simm.s32 $0x1BFF;
	s22 =	sshll.u32 s6, $0x1;
	s3 =	sadd.s32 s4, s20  }
0x14: {  	s7 =	simm.s32 $0x0;
	s21 =	sshll.u32 s5, $0x1;
	s5 =	sadd.s32 s22, s3  }
0x15: {  	[timem:s7], [sflag:s23] =	dma.local [hbm:s5], s21  }
0x16: {  	_ =	swait.ge [sflag:s23], s21  }
0x17: {  	s4 =	ssub.s32 $0x0, s21;
	[sflag:s23] =	ssyncset.done $0x0  }
0x18: {  	[sflag:s23] =	ssyncadd.s32 s4;
	_ =	sdelay $0x1  }
0x19: {  	s24 =	simm.s32 $0x1B8B  }
0x1a: {  	_ =	swait.ge [sflag:s24], $0x1  }
0x1b: {  	[sflag:s24] =	ssyncset.done $0x0  }
0x1c: {  	s26 =	simm.s32 $0x1B8E;
	s25 =	sld [smem:$0x3FFE];
	[sflag:s24] =	ssyncadd.s32 $0xFFFFFFFF  }
0x1d: {  	s27 =	simm.s32 $execute0_lowered;
	[smem:$0x3FD2] =	sst s26  }
0x1e: {  	s5 =	sshll.u32 s27, $0x1;
	_ =	strace $0x80000046;
	[dreg:$0x1] =	wrdreg $0xFFFFFFFF  }
0x1f: {  	s28 =	simm.s32 $_size_execute0_lowered;
	s3 =	sadd.s32 s3, s5;
	[dreg:$0x0] =	wrdreg $0x0  }
0x20: {  	s5 =	sshll.u32 s28, $0x1;
	[dreg:$0x2] =	wrdreg s3  }
0x21: {  	[dreg:$0x3] =	wrdreg s5  }
0x22: {  	[dreg:$0x4] =	wrdreg $0xC0  }
0x23: {  	_ =	task [dreg:s7], $0x5FFFF  }
0x24: {  	[dreg:$0x1] =	wrdreg $0xFFFFFFFF  }
0x25: {  	[dreg:$0x0] =	wrdreg $0x60  }
0x26: {  	[dreg:$0x2] =	wrdreg s2  }
0x27: {  	[dreg:$0x3] =	wrdreg s25  }
0x28: {  	[dreg:$0x4] =	wrdreg $0x9  }
0x29: {  	_ =	task.clear_ibuf [dreg:s7], $0x5FFFF;
	_ =	strace $0x90000046  }
0x2a: {  	s29 =	simm.s32 $0x9;
	_ =	strace $0x80000048  }
0x2b: {  	_ =	swait.ge [sflag:s29], $0x1  }
0x2c: {  	[sflag:s29] =	ssyncadd.s32 $0xFFFFFFFF  }
0x2d: {  	_ =	strace $0x90000048  }
0x2e: {  	_ =	sfence  }
0x2f: {  	s30 =	sld [smem:$0x0];
	_ =	sdelay $0x2  }
0x30: {  	s31 =	sshll.u32 s1, $0xD;
	s1 =	sshrl.u32 s1, $0x2  }
0x31: {  	s3 =	sand.u32 $0x4000, s31;
	s1 =	sadd.s32 s1, s30  }
0x32: {  	s0 =	sor.u32 s3, s0;
	s1 =	sshll.u32 s1, $0x11  }
0x33: {  	s0 =	sor.u32 s1, s0  }
0x34: {  	s0 =	sadd.s32 $0x8F2B, s0  }
0x35: {  	[sflag:s0] =	ssyncadd.remote.s32 $0x1  }
0x36: {  	_ =	sfence.sel $0xFFFF  }
0x37: {  	[dreg:$0x0] =	wrdreg $0xFFFFFFFF;
	(pc) =	sbr.abs _section_cstart, $3  }
0x38: {  	[dreg:$0x1] =	wrdreg $0xFFFFFFFF  }
0x39: {  	_ =	task.clear_ibuf [dreg:s7], $0x2FFFF;
	_ =	strace $0x9FFFFFFF  }
0x3a: {  	(tm) =	ssettm $0x7FFFFFFF  }
0x3b: {  	_ =	shalt  }
tec
execute0_lowered:
.L_overlay_start_1:
0x0: {  	(tag) =	ssettag $0x1  }
0x1: {  	s0 =	srdreg.scid;
	s2 =	rddreg [dreg:$0x0]  }
0x2: {  	s5 =	rddreg [dreg:$0x1];
	s1 =	stileid.u32  }
0x3: {  	s4 =	simm.s32 $0x1;
	s6 =	simm.s32 $0x2;
	s15 =	simm.s32 $0x0  }
0x4: {  	p0 =	por $0x0, $0x0;
	s8 =	simm.s32 $0x80;
	s0 =	sshll.u32 s0, $0x4  }
0x5: {  	s14 =	simm.s32 $0x0;
	s9 =	simm.s32 $0x0;
	s3 =	sand.u32 $0x10, s0  }
.Ltmp0:
0x6: {  	s10 =	simm.s32 $0x0;
	s3 =	sor.u32 s1, s3;
	(pc) =	sbr.rel .LBB1_1-.Ltmp0, $4  }
0x7: {  	s0 =	rddreg [dreg:$0x2];
	_ =	strace $0x80000047;
	s3 =	sshll.u32 s3, $0x7  }
0x8: {  	s12 =	simm.s32 $0x0;
	[sflag:s4] =	ssyncpa.u1 $0x0;
	s7 =	ssub.s32 $0xF4200, s3  }
0x9: {  	s13 =	simm.s32 $0x0;
	[sflag:s6] =	ssyncpa.u1 $0x0;
	s6 =	sshrl.u32 s7, $0xC  }
0xa: {  	s5 =	sadd.s32 $0xE00, s5;
	s11 =	smov.u32 s3;
	s7 =	sadd.s32 $0x2, s6  }
.LBB1_5:
0xb: {  	p1 =	slt.u32 s13, $0x2  }
0xc: {  	s17 =	smov.u32 s15;
	p2 =	sgt.s32 @!p1 s15, $0xF41C0;
	s16 =	sshra.s32 @!p1 s15, $0x1F  }
0xd: {  	p3 =	sgt.s32 @!p1 s14, $0x40;
	s18 =	sshra.s32 @!p1 s14, $0x1F;
	p2 =	por !p2, p1  }
0xe: {  	s15 =	sand.u32 @!p1 s16, s15;
	p3 =	por !p3, p1;
	s16 =	smov.u32 s14  }
0xf: {  	s14 =	sand.u32 @!p1 s18, s14;
	s17 =	simm.s32 @p2 $0xF41C0;
	s16 =	simm.s32 @p3 $0x40  }
0x10: {  	s15 =	ssub.s32 @!p1 s17, s15;
	s14 =	ssub.s32 @!p1 s16, s14  }
0x11: {  	s18 =	smov.u32 s12;
	s16 =	sadd.s32 @!p1 $0xFFF0BE40, s15;
	s17 =	sadd.s32 @!p1 $0xFFFFFFC0, s14  }
0x12: {  	s15 =	ssub.s32 @!p1 $0xF4240, s15;
	p2 =	sgt.s32 @!p1 s16, $0x7F;
	p3 =	sgt.s32 @!p1 s17, $0x3F  }
0x13: {  	s14 =	ssub.s32 @!p1 $0x80, s14;
	p2 =	por !p2, p1;
	p3 =	por !p3, p1  }
0x14: {  	s16 =	sadd.s32 $0x1000, s11;
	s15 =	simm.s32 @!p2 $0x0;
	s14 =	simm.s32 @!p3 $0x0  }
0x15: {  	p2 =	sgt.s32 s16, $0xF423F;
	s14 =	smul.u32 @!p1 s14, s15;
	s15 =	sadd.s32 $0x40, s12  }
0x16: {  	s18 =	smov.u32 @p2 s15  }
0x17: {  	s16 =	smov.u32 @p2 s3;
	p2 =	sgt.s32 s18, $0x3F  }
0x18: {  	s18 =	simm.s32 @p2 $0x0;
	p2 =	sne.s32 s13, s7  }
.Ltmp1:
0x19: {  	p0 =	por !p0, !p0;
	s17 =	simm.s32 @!p1 $0x2;
	(pc) =	sbr.rel @!p2 .LBB1_6-.Ltmp1, $4  }
0x1a: {  	s15 =	smov.u32 s9;
	s9 =	smov.u32 s11;
	s14 =	sand.u32 @!p1 $0x3FFFFFFF, s14  }
0x1b: {  	s11 =	smov.u32 s16;
	_ =	swait.ge @!p1 [sflag:s17], s14;
	s19 =	ssub.s32 @!p1 $0x0, s14  }
0x1c: {  	s14 =	smov.u32 s10;
	s13 =	sadd.s32 $0x1, s13;
	[sflag:s17] =	ssyncset.done @!p1 $0x0  }
0x1d: {  	s10 =	smov.u32 s12;
	s12 =	smov.u32 s18;
	[sflag:s17] =	ssyncadd.s32 @!p1 s19  }
.LBB1_1:
0x1e: {  	p1 =	sgt.u32 s13, s6  }
0x1f: {  	s16 =	sshrl.u32 @!p1 s12, $0x3  }
0x20: {  	s17 =	sshll.u32 @!p1 s11, $0x3;
	s16 =	smul.u32 @!p1 $0x7A1400, s16  }
0x21: {  	s18 =	sshll.u32 @!p1 s12, $0x7;
	s17 =	sand.u32 @!p1 $0xFFFFFC00, s17  }
0x22: {  	s16 =	sadd.s32 @!p1 s16, s17;
	s17 =	sand.u32 @!p1 $0x380, s18  }
0x23: {  	s18 =	sand.u32 @!p1 $0x7F, s11;
	s16 =	sor.u32 @!p1 s17, s16  }
0x24: {  	s17 =	sor.u32 @!p1 s18, s16  }
0x25: {  	s18 =	smulhi.u32 @!p1 $0x218D6287, s17;
	_ =	sdelay $0x1  }
0x26: {  	s16 =	smulhi.u32 @!p1 $0x218D6287, s16;
	s18 =	sshrl.u32 @!p1 s18, $0x11  }
0x27: {  	s18 =	smul.u32 @!p1 $0xF4280, s18  }
0x28: {  	s19 =	sxor.u32 @!p1 $0xFFFFFFFF, s13;
	s16 =	sshrl.u32 @!p1 s16, $0x11  }
0x29: {  	s19 =	sshll.u32 @!p1 s19, $0xD;
	s16 =	sand.u32 @!p1 $0x3F, s16;
	s17 =	ssub.s32 @!p1 s17, s18  }
0x2a: {  	s16 =	smul.u32 @!p1 $0x1E850, s16;
	s18 =	sshrl.u32 @!p1 s17, $0x3;
	s17 =	sand.u32 @!p1 $0x7, s17  }
0x2b: {  	s19 =	sand.u32 @!p1 $0x2000, s19;
	s18 =	sadd.s32 @!p1 s2, s18;
	s17 =	sshll.u32 @!p1 s17, $0x12  }
0x2c: {  	s16 =	sadd.s32 @!p1 s16, s18;
	s17 =	sor.u32 @!p1 $0x400, s17;
	s18 =	simm.s32 @!p1 $0x7A1400  }
0x2d: {  	[tilespmem:s19], [sflag:$0x1] =	stream.strided.gather @!p1 [hbm4b:s16+s17], $0x2000, s18, s17, $0x38;
	[tilespmem:$0x8100] =	vst v63  }
0x2e: {  	p1 =	seq.s32 s13, $0x0  }
0x2f: {  	p2 =	sge.u32 @!p1 s13, s7  }
0x30: {  	p1 =	por p1, p2  }
.Ltmp2:
0x31: {  	_ = 	snop;
	(pc) =	sbr.rel @p1 .LBB1_5-.Ltmp2, $1  }
0x32: {  	_ =	sdelay $0x3  }
0x33: {  	s16 =	simm.s32 $0x1  }
0x34: {  	_ =	swait.ge [sflag:s4], $0x2000;
	s16 =	simm.s32 @!p0 $0x0  }
0x35: {  	[sflag:s4] =	ssyncset.done $0x0;
	s17 =	sshll.u32 s16, $0xD  }
0x36: {  	[sflag:s4] =	ssyncadd.s32 $0xFFFFE000;
	s17 =	sor.u32 $0x40, s17  }
0x37: {  	s16 =	smul.u32 $0x8200, s16;
	v0 =	vld [tilespmem:s17+$0x30]  }
0x38: {  	v1 =	vld [tilespmem:s17+$0xFFFFFFD0]  }
0x39: {  	s16 =	sshrl.u32 s16, $0x2;
	v5 =	vld [tilespmem:s17+$0xFFFFFFE0]  }
0x3a: {  	v6 =	vld [tilespmem:s17+$0xFFFFFFF0];
	s19 =	sor.u32 $0x4000, s16  }
0x3b: {  	s31 =	sand.u32 $0x1, s13;
	v4 =	vld [tilespmem:s17+$0x0];
	s18 =	sadd.s32 $0x0, s19  }
0x3c: {  	v3 =	vld [tilespmem:s17+$0x10];
	s16 =	smul.u32 $0x8200, s31;
	[tilespmem:s18+$0x1C70 ss:$0x41] =	vst.msk $0xffff, v0  }
0x3d: {  	v2 =	vld [tilespmem:s17+$0x20];
	[tilespmem:s18+$0x410 ss:$0x41] =	vst.msk $0xffff, v1  }
0x3e: {  	s16 =	sshrl.u32 s16, $0x2;
	v1 =	vld [tilespmem:s17+$0xFFFFFFC0];
	[tilespmem:s18+$0x820 ss:$0x41] =	vst.msk $0xffff, v5;
	s17 =	sadd.s32 $0x80, s17  }
0x3f: {  	s20 =	simm.s32 $0x4;
	s21 =	simm.s32 $0x8;
	s16 =	sor.u32 $0x4000, s16;
	[tilespmem:s18+$0xC30 ss:$0x41] =	vst.msk $0xffff, v6;
	v0 =	vld [tilespmem:s17+$0x30]  }
.LBB1_3:
0x40: {  	p1 =	sne.s32 s21, $0xFC;
	v5 =	vld [tilespmem:s17+$0xFFFFFFD0];
	[tilespmem:s18+$0x1040 ss:$0x41] =	vst.msk $0xffff, v4  }
0x41: {  	v6 =	vld [tilespmem:s17+$0xFFFFFFE0];
	[tilespmem:s18+$0x1450 ss:$0x41] =	vst.msk $0xffff, v3  }
0x42: {  	s22 =	sshra.s32 s20, $0x2;
	s20 =	smov.u32 s21;
	v7 =	vld [tilespmem:s17+$0xFFFFFFF0];
	[tilespmem:s18+$0x1860 ss:$0x41] =	vst.msk $0xffff, v2  }
.Ltmp3:
0x43: {  	v4 =	vld [tilespmem:s17+$0x0];
	[tilespmem:s18+$0x0 ss:$0x41] =	vst.msk $0xffff, v1;
	s18 =	sadd.s32 s22, s19;
	(pc) =	sbr.rel @p1 .LBB1_3-.Ltmp3, $4  }
0x44: {  	v3 =	vld [tilespmem:s17+$0x10];
	[tilespmem:s18+$0x1C70 ss:$0x41] =	vst.msk $0xffff, v0  }
0x45: {  	[tilespmem:s18+$0x410 ss:$0x41] =	vst.msk $0xffff, v5;
	v2 =	vld [tilespmem:s17+$0x20]  }
0x46: {  	v1 =	vld [tilespmem:s17+$0xFFFFFFC0];
	[tilespmem:s18+$0x820 ss:$0x41] =	vst.msk $0xffff, v6;
	s17 =	sadd.s32 $0x80, s17  }
0x47: {  	s21 =	sadd.s32 $0x4, s21;
	v0 =	vld [tilespmem:s17+$0x30];
	[tilespmem:s18+$0xC30 ss:$0x41] =	vst.msk $0xffff, v7  }
0x48: {  	s21 =	sshll.u32 s9, $0x7;
	s22 =	sshll.u32 s10, $0x3;
	s20 =	sshra.s32 s20, $0x2  }
0x49: {  	p1 =	sgt.s32 s9, $0xF41C0;
	s30 =	sshra.s32 s9, $0x1F;
	s25 =	sshra.s32 s10, $0x1F  }
0x4a: {  	v5 =	vld [tilespmem:s17+$0xFFFFFFD0];
	s28 =	sshrl.u32 s10, $0x3;
	s23 =	sand.u32 $0xFFFFFC00, s21;
	s22 =	sand.u32 $0xFFFFFC00, s22  }
0x4b: {  	[tilespmem:s18+$0x1040 ss:$0x41] =	vst.msk $0xffff, v4;
	v58 =	vld [tilespmem:s17+$0xFFFFFFE0];
	s21 =	sand.u32 $0x380, s21;
	s19 =	sadd.s32 s20, s19;
	s22 =	sadd.s32 s22, s23  }
0x4c: {  	v59 =	vld [tilespmem:s17+$0xFFFFFFF0];
	[tilespmem:s18+$0x1450 ss:$0x41] =	vst.msk $0xffff, v3;
	s29 =	sor.u32 s21, s22;
	s21 =	smov.u32 s9;
	s22 =	sand.u32 s30, s9  }
0x4d: {  	v60 =	vld [tilespmem:s17+$0x0];
	[tilespmem:s18+$0x1860 ss:$0x41] =	vst.msk $0xffff, v2;
	s30 =	sand.u32 $0x7, s10;
	s20 =	sshrl.u32 s29, $0x7;
	s21 =	simm.s32 @!p1 $0xF41C0  }
0x4e: {  	v61 =	vld [tilespmem:s17+$0x10];
	[tilespmem:s18+$0x0 ss:$0x41] =	vst.msk $0xffff, v1;
	p1 =	sgt.s32 s10, $0x40;
	s24 =	ssub.s32 s21, s22;
	s21 =	smov.u32 s10  }
0x4f: {  	v62 =	vld [tilespmem:s17+$0x20];
	[tilespmem:s19+$0x1C70 ss:$0x41] =	vst.msk $0xffff, v0;
	s31 =	smulhi.u32 $0x218DEF5, s20;
	s22 =	sand.u32 s25, s10;
	s21 =	simm.s32 @!p1 $0x40  }
0x50: {  	v63 =	vld [tilespmem:s17+$0xFFFFFFC0];
	[tilespmem:s19+$0x410 ss:$0x41] =	vst.msk $0xffff, v5;
	s26 =	sadd.s32 $0xFFF0BE40, s24;
	s17 =	ssub.s32 $0xF4240, s24;
	s21 =	ssub.s32 s21, s22  }
0x51: {  	[tilespmem:s19+$0x820 ss:$0x41] =	vst.msk $0xffff, v58;
	s23 =	sshrl.u32 s31, $0xD;
	p1 =	sgt.s32 s26, $0x7F;
	s27 =	sadd.s32 $0xFFFFFFC0, s21  }
0x52: {  	[tilespmem:s19+$0xC30 ss:$0x41] =	vst.msk $0xffff, v59;
	s23 =	smul.u32 $0xF4240, s23;
	s18 =	ssub.s32 $0x80, s21;
	p2 =	sgt.s32 s27, $0x3F  }
.Ltmp4:
0x53: {  	[tilespmem:s19+$0x1040 ss:$0x41] =	vst.msk $0xffff, v60;
	s17 =	simm.s32 @p1 $0x0;
	s18 =	simm.s32 @p2 $0x0;
	(pc) =	sbr.rel .LBB1_5-.Ltmp4, $4  }
0x54: {  	s29 =	sand.u32 $0xF, s28;
	[tilespmem:s19+$0x1450 ss:$0x41] =	vst.msk $0xffff, v61;
	s20 =	ssub.s32 s20, s23;
	s17 =	smul.u32 s18, s17  }
0x55: {  	[tilespmem:s19+$0x1860 ss:$0x41] =	vst.msk $0xffff, v62;
	s21 =	sshll.u32 s30, $0x12;
	s20 =	sshll.u32 s20, $0x4;
	s18 =	sadd.s32 s5, s29  }
0x56: {  	[tilespmem:s19+$0x0 ss:$0x41] =	vst.msk $0xffff, v63;
	s31 =	sor.u32 $0x40, s21;
	s18 =	sadd.s32 s20, s18;
	s17 =	sand.u32 $0x3FFFFFFF, s17  }
0x57: {  	[hbm4b:s18+s31] =	stream.strided.scatter [tilespmem:s16], [sflag:$0x2], s17, s8, s31, $0x18;
	[tilespmem:$0x8100] =	vst v63  }
.LBB1_6:
0x58: {  	_ =	sfence.sel $0x180000  }
0x59: {  	s2 =	simm.s32 $0x1;
	[bflag:$0x0] =	sbarrier.arrive $0xFFFF  }
0x5a: {  	s31 =	simm.s32 $0x2;
	[sflag:s2] =	ssyncpa.u1 $0x1  }
0x5b: {  	[sflag:s31] =	ssyncpa.u1 $0x1  }
0x5c: {  	p0 =	sne.s32 s1, $0x0;
	_ =	strace $0x90000047  }
0x5d: {  	s0 =	sadd.s32 @!p0 $0x100000, s0;
	[bflag:$0x2] =	sbarrier.arrive $0xFFFF  }
0x5e: {  	[sflag:s0] =	ssyncadd.tile.s32 @!p0 $0x1;
	_ =	shalt  }
.Lfunc_end1:
_tile_overlayer_lowered:
.L_overlay_start_2:
0x5f: {  	(tag) =	ssettag $0x2  }
0x60: {  	s0 =	rddreg [dreg:$0x0];
	s2 =	stileid.u32  }
0x61: {  	s1 =	rddreg [dreg:$0x1];
	p0 =	sne.s32 s2, $0x0  }
0x62: {  	s3 =	rddreg [dreg:$0x2];
	[bflag:$0x3] =	sbarrier.arrive $0xFFFF;
	s2 =	simm.s32 @!p0 $0x1C01  }
0x63: {  	[timem:s3], [sflag:s2] =	dma.local @!p0 [hbm:s0], s1  }
0x64: {  	s0 =	simm.s32 @!p0 $0x1  }
0x65: {  	_ =	swait.ge @!p0 [sflag:s0], s1  }
0x66: {  	s1 =	ssub.s32 @!p0 $0x0, s1;
	[sflag:s0] =	ssyncset.done @!p0 $0x0  }
0x67: {  	[sflag:s0] =	ssyncadd.s32 @!p0 s1  }
0x68: {  	[bflag:$0x3] =	sbarrier.arrive $0xFFFF  }
0x69: {  	_ =	shalt  }

// kernel: sparse-core-data-format-call.cloned.1.call-start
scs
called_computation_lowered:
.L_overlay_start_0:
0x0: {  	s2 =	sld [smem:$0x3FD9]  }
0x1: {  	s3 =	sld [smem:$0x3FFE];
	_ =	sdelay $0x1  }
0x2: {  	s1 =	srdreg.scid  }
0x3: {  	s0 =	sand.u32 $0x1, s1  }
0x4: {  	s18 =	sshll.u32 s0, $0xA;
	s2 =	sadd.s32 s3, s2  }
0x5: {  	s2 =	sadd.s32 s2, s18  }
0x6: {  	[smem:$0x3FC6] =	sst s2  }
0x7: {  	_ = 	snop  }
0x8: {  	s2 =	sld [smem:$0x3FD0];
	(tm) =	ssettm $0x1  }
0x9: {  	s19 =	sld [smem:$0x3FFB];
	_ =	sdelay $0x3  }
0xa: {  	_ =	strace s19  }
0xb: {  	s3 =	sld [smem:$0x3FFC];
	_ =	sdelay $0x3  }
0xc: {  	_ =	strace s3  }
0xd: {  	s3 =	sld [smem:$0x3FFD];
	_ =	sdelay $0x3  }
0xe: {  	_ =	strace s3  }
0xf: {  	_ =	strace $0x8FFFFFFF  }
0x10: {  	s20 =	sld [smem:$0x3FDB];
	_ =	sdelay $0x1  }
0x11: {  	s4 =	simm.s32 $_scs_section_size  }
0x12: {  	s5 =	simm.s32 $_size__tile_overlayer_lowered;
	s6 =	simm.s32 $_tile_overlayer_lowered  }
0x13: {  	s23 =	simm.s32 $0x1BFF;
	s22 =	sshll.u32 s6, $0x1;
	s3 =	sadd.s32 s4, s20  }
0x14: {  	s7 =	simm.s32 $0x0;
	s21 =	sshll.u32 s5, $0x1;
	s5 =	sadd.s32 s22, s3  }
0x15: {  	[timem:s7], [sflag:s23] =	dma.local [hbm:s5], s21  }
0x16: {  	_ =	swait.ge [sflag:s23], s21  }
0x17: {  	s4 =	ssub.s32 $0x0, s21;
	[sflag:s23] =	ssyncset.done $0x0  }
0x18: {  	[sflag:s23] =	ssyncadd.s32 s4;
	_ =	sdelay $0x1  }
0x19: {  	s24 =	simm.s32 $0x1B8B  }
0x1a: {  	_ =	swait.ge [sflag:s24], $0x1  }
0x1b: {  	[sflag:s24] =	ssyncset.done $0x0  }
0x1c: {  	s26 =	simm.s32 $0x1B8E;
	s25 =	sld [smem:$0x3FFE];
	[sflag:s24] =	ssyncadd.s32 $0xFFFFFFFF  }
0x1d: {  	s27 =	simm.s32 $execute0_lowered;
	[smem:$0x3FD2] =	sst s26  }
0x1e: {  	s5 =	sshll.u32 s27, $0x1;
	_ =	strace $0x8000004C;
	[dreg:$0x1] =	wrdreg $0xFFFFFFFF  }
0x1f: {  	s28 =	simm.s32 $_size_execute0_lowered;
	s3 =	sadd.s32 s3, s5;
	[dreg:$0x0] =	wrdreg $0x0  }
0x20: {  	s5 =	sshll.u32 s28, $0x1;
	[dreg:$0x2] =	wrdreg s3  }
0x21: {  	[dreg:$0x3] =	wrdreg s5  }
0x22: {  	[dreg:$0x4] =	wrdreg $0xC0  }
0x23: {  	_ =	task [dreg:s7], $0x5FFFF  }
0x24: {  	[dreg:$0x1] =	wrdreg $0xFFFFFFFF  }
0x25: {  	[dreg:$0x0] =	wrdreg $0x60  }
0x26: {  	[dreg:$0x2] =	wrdreg s25  }
0x27: {  	[dreg:$0x3] =	wrdreg s2  }
0x28: {  	[dreg:$0x4] =	wrdreg $0x9  }
0x29: {  	_ =	task.clear_ibuf [dreg:s7], $0x5FFFF;
	_ =	strace $0x9000004C  }
0x2a: {  	s29 =	simm.s32 $0x9;
	_ =	strace $0x8000004E  }
0x2b: {  	_ =	swait.ge [sflag:s29], $0x1  }
0x2c: {  	[sflag:s29] =	ssyncadd.s32 $0xFFFFFFFF  }
0x2d: {  	_ =	strace $0x9000004E  }
0x2e: {  	_ =	sfence  }
0x2f: {  	s30 =	sld [smem:$0x0];
	_ =	sdelay $0x2  }
0x30: {  	s31 =	sshll.u32 s1, $0xD;
	s1 =	sshrl.u32 s1, $0x2  }
0x31: {  	s3 =	sand.u32 $0x4000, s31;
	s1 =	sadd.s32 s1, s30  }
0x32: {  	s0 =	sor.u32 s3, s0;
	s1 =	sshll.u32 s1, $0x11  }
0x33: {  	s0 =	sor.u32 s1, s0  }
0x34: {  	s0 =	sadd.s32 $0x8F2B, s0  }
0x35: {  	[sflag:s0] =	ssyncadd.remote.s32 $0x1  }
0x36: {  	_ =	sfence.sel $0xFFFF  }
0x37: {  	[dreg:$0x0] =	wrdreg $0xFFFFFFFF;
	(pc) =	sbr.abs _section_cstart, $3  }
0x38: {  	[dreg:$0x1] =	wrdreg $0xFFFFFFFF  }
0x39: {  	_ =	task.clear_ibuf [dreg:s7], $0x2FFFF;
	_ =	strace $0x9FFFFFFF  }
0x3a: {  	(tm) =	ssettm $0x7FFFFFFF  }
0x3b: {  	_ =	shalt  }
tec
execute0_lowered:
.L_overlay_start_1:
0x0: {  	(tag) =	ssettag $0x1  }
0x1: {  	s0 =	srdreg.scid  }
0x2: {  	s1 =	sshll.u32 s0, $0x4  }
0x3: {  	s0 =	stileid.u32;
	s1 =	sand.u32 $0x10, s1  }
0x4: {  	s1 =	sor.u32 s0, s1  }
0x5: {  	s6 =	rddreg [dreg:$0x0];
	s4 =	simm.s32 $0x1;
	s2 =	sshll.u32 s1, $0x7  }
0x6: {  	s7 =	simm.s32 $0x2;
	s12 =	simm.s32 $0x0;
	s1 =	ssub.s32 $0x1000, s2  }
0x7: {  	s8 =	simm.s32 $0x8000;
	s13 =	simm.s32 $0x0;
	s3 =	sand.u32 $0xF80, s1  }
0x8: {  	s9 =	simm.s32 $0x0;
	s5 =	sshrl.u32 s1, $0xC;
	p0 =	sne.s32 s3, $0x0  }
.Ltmp0:
0x9: {  	s1 =	rddreg [dreg:$0x2];
	s4 =	simm.s32 @!p0 $0x0;
	(pc) =	sbr.rel .LBB1_1-.Ltmp0, $4  }
0xa: {  	s11 =	simm.s32 $0x0;
	s3 =	rddreg [dreg:$0x1];
	s5 =	sadd.s32 s4, s5  }
0xb: {  	_ =	strace $0x8000004D;
	s4 =	simm.s32 $0x1;
	s5 =	smul.u32 $0xC8, s5  }
0xc: {  	s6 =	sadd.s32 $0xE00, s6;
	s10 =	smov.u32 s2;
	[sflag:s4] =	ssyncpa.u1 $0x0  }
0xd: {  	p0 =	por $0x0, $0x0;
	[sflag:s7] =	ssyncpa.u1 $0x0;
	s7 =	sor.u32 $0x1, s5  }
.LBB1_4:
0xe: {  	s16 =	sshll.u32 s13, $0x3;
	s17 =	sand.u32 $0x78, s13  }
0xf: {  	s30 =	sand.u32 $0x7E00, s13;
	s12 =	sshll.u32 s12, $0xF;
	s16 =	sand.u32 $0xC00, s16  }
0x10: {  	[tilespmem:s15+$0x810 ss:$0x81] =	vst.msk $0xffff, v2;
	s31 =	sand.u32 $0x7, s13;
	s16 =	sor.u32 s17, s16;
	s17 =	sadd.s32 s3, s30  }
0x11: {  	[tilespmem:s15+$0x1020 ss:$0x81] =	vst.msk $0xffff, v0;
	s13 =	sshll.u32 s31, $0x12;
	s12 =	sadd.s32 s12, s17;
	s16 =	sshrl.u32 s16, $0x3  }
0x12: {  	[tilespmem:s15+$0x0 ss:$0x81] =	vst.msk $0xffff, v1;
	s13 =	sor.u32 $0x400, s13;
	s12 =	sadd.s32 s16, s12  }
0x13: {  	[hbm4b:s12+s13] =	stream.strided.scatter [tilespmem:s14], [sflag:$0x2], $0x2000, s8, s13, $0x20;
	[tilespmem:$0x8080] =	vst v63  }
.LBB1_5:
0x14: {  	s14 =	sadd.s32 $0x1, s9  }
0x15: {  	s12 =	sadd.s32 $0x1000, s10;
	s16 =	smov.u32 s10;
	p2 =	sgt.s32 s14, $0xC7  }
0x16: {  	s16 =	smov.u32 @p2 s12  }
0x17: {  	s14 =	simm.s32 @p2 $0x0;
	p2 =	sgt.s32 s16, $0xFFF  }
0x18: {  	s16 =	smov.u32 @p2 s2;
	p2 =	sne.s32 s11, s7  }
.Ltmp1:
0x19: {  	p1 =	slt.u32 s11, $0x2;
	(pc) =	sbr.rel @!p2 .LBB1_6-.Ltmp1, $4  }
0x1a: {  	s15 =	simm.s32 @!p1 $0x2  }
0x1b: {  	s13 =	smov.u32 s10;
	p0 =	por !p0, !p0;
	_ =	swait.ge @!p1 [sflag:s15], $0x2000  }
0x1c: {  	s12 =	smov.u32 s9;
	[sflag:s15] =	ssyncset.done @!p1 $0x0;
	s9 =	smov.u32 s14  }
0x1d: {  	s11 =	sadd.s32 $0x1, s11;
	[sflag:s15] =	ssyncadd.s32 @!p1 $0xFFFFE000;
	s10 =	smov.u32 s16  }
.LBB1_1:
0x1e: {  	p1 =	sge.u32 s11, s5  }
0x1f: {  	s14 =	sand.u32 @!p1 $0x1FFFFFF, s9  }
0x20: {  	s15 =	smulhi.u32 @!p1 $0x147AE15, s14;
	_ =	sdelay $0x1  }
0x21: {  	s15 =	smul.u32 @!p1 $0xC8, s15  }
0x22: {  	s16 =	sxor.u32 @!p1 $0xFFFFFFFF, s11;
	s17 =	smul.u32 @!p1 $0xC80, s10  }
0x23: {  	s31 =	sadd.s32 $0xFFFFFFFF, s11;
	s16 =	sshll.u32 @!p1 s16, $0xD;
	s14 =	ssub.s32 @!p1 s14, s15  }
0x24: {  	s15 =	sand.u32 @!p1 $0x2000, s16;
	s16 =	sadd.s32 @!p1 s6, s17;
	s14 =	sshll.u32 @!p1 s14, $0x4  }
0x25: {  	s17 =	simm.s32 @!p1 $0x6400;
	s14 =	sadd.s32 @!p1 s14, s16;
	s16 =	simm.s32 @!p1 $0x40  }
0x26: {  	[tilespmem:s15], [sflag:$0x1] =	stream.strided.gather @!p1 [hbm4b:s14+s16], $0x2000, s17, s16, $0x38;
	[tilespmem:$0x8080] =	vst v63  }
0x27: {  	p1 =	sge.u32 s31, s5  }
.Ltmp2:
0x28: {  	_ = 	snop;
	(pc) =	sbr.rel @p1 .LBB1_5-.Ltmp2, $1  }
0x29: {  	_ =	sdelay $0x3  }
0x2a: {  	s14 =	simm.s32 $0x1  }
0x2b: {  	_ =	swait.ge [sflag:s4], $0x2000;
	s14 =	simm.s32 @!p0 $0x0  }
0x2c: {  	[sflag:s4] =	ssyncset.done $0x0;
	s15 =	sshll.u32 s14, $0xD  }
0x2d: {  	[sflag:s4] =	ssyncadd.s32 $0xFFFFE000;
	s18 =	sor.u32 $0x20, s15  }
0x2e: {  	s14 =	smul.u32 $0x8100, s14;
	v3 =	vld [tilespmem:s18+$0x10]  }
0x2f: {  	s30 =	sand.u32 $0x1, s11;
	v2 =	vld [tilespmem:s18+$0xFFFFFFF0]  }
0x30: {  	s15 =	smul.u32 $0x8100, s30;
	s14 =	sshrl.u32 s14, $0x2;
	v0 =	vld [tilespmem:s18+$0x0]  }
0x31: {  	v1 =	vld [tilespmem:s18+$0xFFFFFFE0];
	s16 =	sor.u32 $0x4000, s14  }
0x32: {  	s31 =	sshrl.u32 s15, $0x2;
	s15 =	sadd.s32 $0x0, s16  }
0x33: {  	s17 =	simm.s32 $0x4;
	s18 =	sadd.s32 $0x40, s18;
	s14 =	sor.u32 $0x4000, s31;
	[tilespmem:s15+$0x1830 ss:$0x81] =	vst.msk $0xffff, v3  }
.LBB1_3:
0x34: {  	v3 =	vld [tilespmem:s18+$0x10];
	p1 =	sne.s32 s17, $0x1FC;
	[tilespmem:s15+$0x810 ss:$0x81] =	vst.msk $0xffff, v2;
	s19 =	smov.u32 s17;
	s17 =	sadd.s32 $0x4, s17  }
.Ltmp3:
0x35: {  	v2 =	vld [tilespmem:s18+$0xFFFFFFF0];
	[tilespmem:s15+$0x1020 ss:$0x81] =	vst.msk $0xffff, v0;
	(pc) =	sbr.rel @p1 .LBB1_3-.Ltmp3, $4  }
0x36: {  	v0 =	vld [tilespmem:s18+$0x0];
	[tilespmem:s15+$0x0 ss:$0x81] =	vst.msk $0xffff, v1  }
0x37: {  	s15 =	sshra.s32 s19, $0x2;
	v1 =	vld [tilespmem:s18+$0xFFFFFFE0]  }
0x38: {  	s15 =	sadd.s32 s15, s16  }
0x39: {  	s18 =	sadd.s32 $0x40, s18;
	[tilespmem:s15+$0x1830 ss:$0x81] =	vst.msk $0xffff, v3  }
.Ltmp4:
0x3a: {  	_ = 	snop;
	(pc) =	sbr.rel .LBB1_4-.Ltmp4, $1  }
0x3b: {  	_ =	sdelay $0x3  }
.LBB1_6:
0x3c: {  	_ =	sfence.sel $0x180000  }
0x3d: {  	s2 =	simm.s32 $0x1;
	[bflag:$0x0] =	sbarrier.arrive $0xFFFF  }
0x3e: {  	s31 =	simm.s32 $0x2;
	[sflag:s2] =	ssyncpa.u1 $0x1  }
0x3f: {  	[sflag:s31] =	ssyncpa.u1 $0x1  }
0x40: {  	p0 =	sne.s32 s0, $0x0;
	_ =	strace $0x9000004D  }
0x41: {  	s0 =	sadd.s32 @!p0 $0x100000, s1;
	[bflag:$0x2] =	sbarrier.arrive $0xFFFF  }
0x42: {  	[sflag:s0] =	ssyncadd.tile.s32 @!p0 $0x1;
	_ =	shalt  }
.Lfunc_end1:
_tile_overlayer_lowered:
.L_overlay_start_2:
0x43: {  	(tag) =	ssettag $0x2  }
0x44: {  	s0 =	rddreg [dreg:$0x0];
	s2 =	stileid.u32  }
0x45: {  	s1 =	rddreg [dreg:$0x1];
	p0 =	sne.s32 s2, $0x0  }
0x46: {  	s3 =	rddreg [dreg:$0x2];
	[bflag:$0x3] =	sbarrier.arrive $0xFFFF;
	s2 =	simm.s32 @!p0 $0x1C01  }
0x47: {  	[timem:s3], [sflag:s2] =	dma.local @!p0 [hbm:s0], s1  }
0x48: {  	s0 =	simm.s32 @!p0 $0x1  }
0x49: {  	_ =	swait.ge @!p0 [sflag:s0], s1  }
0x4a: {  	s1 =	ssub.s32 @!p0 $0x0, s1;
	[sflag:s0] =	ssyncset.done @!p0 $0x0  }
0x4b: {  	[sflag:s0] =	ssyncadd.s32 @!p0 s1  }
0x4c: {  	[bflag:$0x3] =	sbarrier.arrive $0xFFFF  }
0x4d: {  	_ =	shalt  }

</sc_bundles>
